<compile_context>
chip_gen: v7x
topology: tpu7x:2x2x1
jax: 0.10.2.dev20260603
libtpu: 0.0.44.dev20260713+nightly
codegen_flags: <defaults>
</compile_context>

<pallas_src>
import functools

import numpy as np
import jax
import jax.numpy as jnp
from jax import lax
from jax.experimental import pallas as pl
from jax.experimental.pallas import tpu as pltpu
from jax.experimental.pallas import tpu_sc as plsc

_VOCAB = 1_000_000
_D = 64
_B = 4096
_L = 50
_BL = _B * _L
_TOTAL = _BL * _D
_NROWS = _TOTAL // 128

_MAG = np.float32(5.0) / np.sqrt(np.float32(_L * _D))

_KS0 = np.uint32(0)
_KS1 = np.uint32(42)
_KS2 = _KS0 ^ _KS1 ^ np.uint32(0x1BD11BDA)


def _rotl(x, r):
    return (x << np.uint32(r)) | (x >> np.uint32(32 - r))


def _tf_rounds(x0, x1, rots):
    for r in rots:
        x0 = x0 + x1
        x1 = _rotl(x1, r)
        x1 = x1 ^ x0
    return x0, x1


def _threefry_bits(i):
    r0 = (13, 15, 26, 6)
    r1 = (17, 29, 16, 24)
    x0 = jnp.zeros_like(i) + _KS0
    x1 = i + _KS1
    x0, x1 = _tf_rounds(x0, x1, r0)
    x0 = x0 + _KS1
    x1 = x1 + _KS2 + np.uint32(1)
    x0, x1 = _tf_rounds(x0, x1, r1)
    x0 = x0 + _KS2
    x1 = x1 + _KS0 + np.uint32(2)
    x0, x1 = _tf_rounds(x0, x1, r0)
    x0 = x0 + _KS0
    x1 = x1 + _KS1 + np.uint32(3)
    x0, x1 = _tf_rounds(x0, x1, r1)
    x0 = x0 + _KS1
    x1 = x1 + _KS2 + np.uint32(4)
    x0, x1 = _tf_rounds(x0, x1, r0)
    x0 = x0 + _KS2
    x1 = x1 + _KS0 + np.uint32(5)
    return x0 ^ x1


_TC = 8192


def _xpose_body(t_ref, o_ref):
    x = t_ref[...]
    xt = x.T
    o_ref[...] = jnp.concatenate((xt, xt), axis=1)


def _xpose(tT):
    return pl.pallas_call(
        _xpose_body,
        grid=(pl.cdiv(_VOCAB, _TC),),
        in_specs=[pl.BlockSpec((64, _TC), lambda i: (0, i))],
        out_specs=pl.BlockSpec((_TC, 128), lambda i: (i, 0)),
        out_shape=jax.ShapeDtypeStruct((_VOCAB, 128), jnp.float32),
    )(tT)


_BLKR = 1024


def _noise_body(o_ref):
    blk = pl.program_id(0)
    base = (blk * (_BLKR * 128)).astype(jnp.uint32)
    row = lax.broadcasted_iota(jnp.uint32, (_BLKR, 128), 0)
    col = lax.broadcasted_iota(jnp.uint32, (_BLKR, 128), 1)
    i = base + row * np.uint32(128) + col
    bits = _threefry_bits(i)
    fb = (bits >> np.uint32(9)) | np.uint32(0x3F800000)
    u = lax.bitcast_convert_type(fb, jnp.float32) - np.float32(1.0)
    n = jnp.maximum(np.float32(-1.0), u * np.float32(2.0) + np.float32(-1.0))
    o_ref[...] = n * _MAG


def _noise():
    return pl.pallas_call(
        _noise_body,
        grid=(_NROWS // _BLKR,),
        in_specs=[],
        out_specs=pl.BlockSpec((_BLKR, 128), lambda i: (i, 0)),
        out_shape=jax.ShapeDtypeStruct((_NROWS, 128), jnp.float32),
    )()


_AR = 2048


def _add_body(g_ref, n_ref, o_ref):
    o_ref[...] = g_ref[...] + n_ref[...]


def _add(g2, nz):
    return pl.pallas_call(
        _add_body,
        grid=(_NROWS // _AR,),
        in_specs=[
            pl.BlockSpec((_AR, 128), lambda i: (i, 0)),
            pl.BlockSpec((_AR, 128), lambda i: (i, 0)),
        ],
        out_specs=pl.BlockSpec((_AR, 128), lambda i: (i, 0)),
        out_shape=jax.ShapeDtypeStruct((_NROWS, 128), jnp.float32),
    )(g2, nz)


_info = plsc.get_sparse_core_info()
_NC, _NS = _info.num_cores, _info.num_subcores
_NW = _NC * _NS
_RPW = _BL // _NW
_NSUB = 5
_CH = _NSUB * 128
_NCHUNK = _RPW // _CH


def _gather_body(idx_hbm, table_hbm, out_hbm, idx_v, rows_v, sem):
    wid = lax.axis_index("s") * _NC + lax.axis_index("c")

    def chunk(ci, carry):
        r0 = wid * _RPW + ci * _CH
        pltpu.sync_copy(idx_hbm.at[pl.ds(r0, _CH)], idx_v)
        handles = [
            pltpu.async_copy(
                table_hbm.at[idx_v.at[pl.ds(j * 128, 128)]],
                rows_v.at[pl.ds(j * 128, 128)],
                sem,
            )
            for j in range(_NSUB)
        ]
        for h in handles:
            h.wait()
        pltpu.sync_copy(rows_v, out_hbm.at[pl.ds(r0, _CH)])
        return carry

    lax.fori_loop(0, _NCHUNK, chunk, 0)


_gather = functools.partial(
    pl.kernel,
    mesh=plsc.VectorSubcoreMesh(core_axis_name="c", subcore_axis_name="s"),
    out_type=jax.ShapeDtypeStruct((_BL, _D), jnp.float32),
    scratch_types=[
        pltpu.VMEM((_CH,), jnp.int32),
        pltpu.VMEM((_CH, _D), jnp.float32),
        pltpu.SemaphoreType.DMA,
    ],
    compiler_params=pltpu.CompilerParams(use_tc_tiling_on_sc=False),
)(_gather_body)


def kernel(input_ids, table):
    t2 = _xpose(table.T)
    t3 = t2.reshape(2 * _VOCAB, _D)
    idx = input_ids.reshape(_BL) * 2
    g = _gather(idx, t3)
    nz = _noise()
    out = _add(g.reshape(_NROWS, 128), nz)
    return out.reshape(_B, _L, _D)

# --- scband reference (transcript-rebuilt; emitter-appended) ---
"""Pipeline reference for scband-neftune-embedding-78709570667418 (READ-ONLY COPY).

The authoritative reference and input builder live on the scoring server;
editing this copy changes nothing except your own understanding.
"""

import jax, jax.numpy as jnp
import numpy as np

VOCAB = 1000000
EMBED_DIM = 64
BATCH = 4096
SEQ = 50
NOISE_ALPHA = 5.0


def setup_inputs(seed: int = 0) -> dict:
    key = jax.random.key(seed)
    k_idx, k_tbl = jax.random.split(key)
    input_ids = jax.random.randint(k_idx, (BATCH, SEQ), 0, VOCAB, dtype=jnp.int64 if jax.config.jax_enable_x64 else jnp.int32).astype(jnp.int32)
    table = jax.random.normal(k_tbl, (VOCAB, EMBED_DIM), dtype=jnp.float32) * 0.02
    return {"input_ids": input_ids, "table": table}


def reference(input_ids, table):
    # embeds = self.embedding(input_ids)
    embeds = jnp.take(table, input_ids, axis=0)  # [B, L, D]
    # training-mode NEFTune noise
    dims = jnp.asarray(embeds.shape[1] * embeds.shape[2], dtype=jnp.float32)
    magnitude = NOISE_ALPHA / jnp.sqrt(dims)
    noise = jax.random.uniform(jax.random.key(42), embeds.shape, dtype=jnp.float32, minval=-1.0, maxval=1.0) * magnitude
    embeds = embeds + noise
    return embeds

if __name__ == "__main__":
    import jax
    _d = setup_inputs()
    print(jax.jit(kernel)(*tuple(_d.values())))

</pallas_src>

<mosaic_0001>
#map = affine_map<(d0, d1) -> (0)>
#map1 = affine_map<(d0, d1) -> (0, 0)>
module attributes {stable_mosaic.version = 14 : i64} {
  func.func @_gather_body(%arg0: i32, %arg1: i32, %arg2: memref<204800xi32, #tpu.memory_space<hbm>>, %arg3: memref<2000000x64xf32, #tpu.memory_space<hbm>>, %arg4: memref<204800x64xf32, #tpu.memory_space<hbm>>, %arg5: memref<640xi32, #tpu.memory_space<vmem>>, %arg6: memref<640x64xf32, #tpu.memory_space<vmem>>, %arg7: memref<!tpu.dma_semaphore, #tpu.memory_space<semaphore_mem>>) attributes {dimension_semantics = [#tpu.dimension_semantics<core_parallel>, #tpu.dimension_semantics<subcore_parallel>], iteration_bounds = array<i64: 2, 16>, scalar_prefetch = 0 : i64, scratch_operands = 3 : i64, tpu.core_type = #tpu.core_type<sc_vector_subcore>, window_params = [{transform_indices = #map}, {transform_indices = #map1}, {transform_indices = #map1}]} {
    %mul3A = arith.constant 2 : i32
    %mul3A_0 = arith.muli %arg1, %mul3A : i32
    %add3A = arith.addi %mul3A_0, %arg0 : i32
    %scan3A = arith.constant 0 : i32
    %scan3A_1 = arith.constant 0 : i32
    %scan3A_2 = arith.constant 10 : i32
    %scan3A_3 = arith.addi %scan3A_1, %scan3A_2 : i32
    %scan3A_4 = arith.constant 1 : i32
    scf.for %scan3A_6 = %scan3A_1 to %scan3A_3 step %scan3A_4  : i32 {
      %mul3A_7 = arith.constant 6400 : i32
      %mul3A_8 = arith.muli %add3A, %mul3A_7 : i32
      %mul3A_9 = arith.constant 640 : i32
      %mul3A_10 = arith.muli %scan3A_6, %mul3A_9 : i32
      %add3A_11 = arith.addi %mul3A_8, %mul3A_10 : i32
      "tpu.region"() ({
        %run_scoped3A = tpu.sem_alloc : memref<!tpu.dma_semaphore, #tpu.memory_space<semaphore_mem>>
        %dma_start3A_90 = tpu.memref_slice %arg2[%add3A_11] : memref<204800xi32, #tpu.memory_space<hbm>> -> memref<640xi32, #tpu.memory_space<hbm>>
        %dma_start3A_91 = tpu.memref_slice %arg2[%add3A_11] : memref<204800xi32, #tpu.memory_space<hbm>> -> memref<640xi32, #tpu.memory_space<hbm>>
        tpu.enqueue_dma source(%dma_start3A_91 : memref<640xi32, #tpu.memory_space<hbm>>) target(%arg5 : memref<640xi32, #tpu.memory_space<vmem>>) target_semaphore(%run_scoped3A : memref<!tpu.dma_semaphore, #tpu.memory_space<semaphore_mem>>)
        %dma_wait3A_92 = tpu.memref_slice %arg2[%add3A_11] : memref<204800xi32, #tpu.memory_space<hbm>> -> memref<640xi32, #tpu.memory_space<hbm>>
        %dma_wait3A_93 = tpu.memref_slice %arg2[%add3A_11] : memref<204800xi32, #tpu.memory_space<hbm>> -> memref<640xi32, #tpu.memory_space<hbm>>
        tpu.wait_dma2 semaphore(%run_scoped3A : memref<!tpu.dma_semaphore, #tpu.memory_space<semaphore_mem>>) src(%dma_wait3A_93 : memref<640xi32, #tpu.memory_space<hbm>>) dst(%arg5 : memref<640xi32, #tpu.memory_space<vmem>>)
        tpu.yield
      }) : () -> ()
      %dma_start3A = arith.constant 0 : i32
      %dma_start3A_12 = arith.constant 0 : i32
      %dma_start3A_13 = tpu.memref_slice %arg6[%dma_start3A, %dma_start3A_12] : memref<640x64xf32, #tpu.memory_space<vmem>> -> memref<128x64xf32, #tpu.memory_space<vmem>>
      %dma_start3A_14 = arith.constant 0 : i32
      %dma_start3A_15 = tpu.memref_slice %arg5[%dma_start3A_14] : memref<640xi32, #tpu.memory_space<vmem>> -> memref<128xi32, #tpu.memory_space<vmem>>
      %dma_start3A_16 = arith.constant 0 : i32
      %dma_start3A_17 = arith.constant 0 : i32
      %dma_start3A_18 = tpu.memref_slice %arg3[%dma_start3A_16, %dma_start3A_17] : memref<2000000x64xf32, #tpu.memory_space<hbm>> -> memref<2000000x64xf32, #tpu.memory_space<hbm>>
      tpu.enqueue_indirect_dma source(%dma_start3A_18 : memref<2000000x64xf32, #tpu.memory_space<hbm>>) target(%dma_start3A_13 : memref<128x64xf32, #tpu.memory_space<vmem>>) offsets(%dma_start3A_15 : memref<128xi32, #tpu.memory_space<vmem>>) semaphore(%arg7 : memref<!tpu.dma_semaphore, #tpu.memory_space<semaphore_mem>>)
      %dma_start3A_19 = arith.constant 128 : i32
      %dma_start3A_20 = arith.constant 0 : i32
      %dma_start3A_21 = tpu.memref_slice %arg6[%dma_start3A_19, %dma_start3A_20] : memref<640x64xf32, #tpu.memory_space<vmem>> -> memref<128x64xf32, #tpu.memory_space<vmem>>
      %dma_start3A_22 = arith.constant 128 : i32
      %dma_start3A_23 = tpu.memref_slice %arg5[%dma_start3A_22] : memref<640xi32, #tpu.memory_space<vmem>> -> memref<128xi32, #tpu.memory_space<vmem>>
      %dma_start3A_24 = arith.constant 0 : i32
      %dma_start3A_25 = arith.constant 0 : i32
      %dma_start3A_26 = tpu.memref_slice %arg3[%dma_start3A_24, %dma_start3A_25] : memref<2000000x64xf32, #tpu.memory_space<hbm>> -> memref<2000000x64xf32, #tpu.memory_space<hbm>>
      tpu.enqueue_indirect_dma source(%dma_start3A_26 : memref<2000000x64xf32, #tpu.memory_space<hbm>>) target(%dma_start3A_21 : memref<128x64xf32, #tpu.memory_space<vmem>>) offsets(%dma_start3A_23 : memref<128xi32, #tpu.memory_space<vmem>>) semaphore(%arg7 : memref<!tpu.dma_semaphore, #tpu.memory_space<semaphore_mem>>)
      %dma_start3A_27 = arith.constant 256 : i32
      %dma_start3A_28 = arith.constant 0 : i32
      %dma_start3A_29 = tpu.memref_slice %arg6[%dma_start3A_27, %dma_start3A_28] : memref<640x64xf32, #tpu.memory_space<vmem>> -> memref<128x64xf32, #tpu.memory_space<vmem>>
      %dma_start3A_30 = arith.constant 256 : i32
      %dma_start3A_31 = tpu.memref_slice %arg5[%dma_start3A_30] : memref<640xi32, #tpu.memory_space<vmem>> -> memref<128xi32, #tpu.memory_space<vmem>>
      %dma_start3A_32 = arith.constant 0 : i32
      %dma_start3A_33 = arith.constant 0 : i32
      %dma_start3A_34 = tpu.memref_slice %arg3[%dma_start3A_32, %dma_start3A_33] : memref<2000000x64xf32, #tpu.memory_space<hbm>> -> memref<2000000x64xf32, #tpu.memory_space<hbm>>
      tpu.enqueue_indirect_dma source(%dma_start3A_34 : memref<2000000x64xf32, #tpu.memory_space<hbm>>) target(%dma_start3A_29 : memref<128x64xf32, #tpu.memory_space<vmem>>) offsets(%dma_start3A_31 : memref<128xi32, #tpu.memory_space<vmem>>) semaphore(%arg7 : memref<!tpu.dma_semaphore, #tpu.memory_space<semaphore_mem>>)
      %dma_start3A_35 = arith.constant 384 : i32
      %dma_start3A_36 = arith.constant 0 : i32
      %dma_start3A_37 = tpu.memref_slice %arg6[%dma_start3A_35, %dma_start3A_36] : memref<640x64xf32, #tpu.memory_space<vmem>> -> memref<128x64xf32, #tpu.memory_space<vmem>>
      %dma_start3A_38 = arith.constant 384 : i32
      %dma_start3A_39 = tpu.memref_slice %arg5[%dma_start3A_38] : memref<640xi32, #tpu.memory_space<vmem>> -> memref<128xi32, #tpu.memory_space<vmem>>
      %dma_start3A_40 = arith.constant 0 : i32
      %dma_start3A_41 = arith.constant 0 : i32
      %dma_start3A_42 = tpu.memref_slice %arg3[%dma_start3A_40, %dma_start3A_41] : memref<2000000x64xf32, #tpu.memory_space<hbm>> -> memref<2000000x64xf32, #tpu.memory_space<hbm>>
      tpu.enqueue_indirect_dma source(%dma_start3A_42 : memref<2000000x64xf32, #tpu.memory_space<hbm>>) target(%dma_start3A_37 : memref<128x64xf32, #tpu.memory_space<vmem>>) offsets(%dma_start3A_39 : memref<128xi32, #tpu.memory_space<vmem>>) semaphore(%arg7 : memref<!tpu.dma_semaphore, #tpu.memory_space<semaphore_mem>>)
      %dma_start3A_43 = arith.constant 512 : i32
      %dma_start3A_44 = arith.constant 0 : i32
      %dma_start3A_45 = tpu.memref_slice %arg6[%dma_start3A_43, %dma_start3A_44] : memref<640x64xf32, #tpu.memory_space<vmem>> -> memref<128x64xf32, #tpu.memory_space<vmem>>
      %dma_start3A_46 = arith.constant 512 : i32
      %dma_start3A_47 = tpu.memref_slice %arg5[%dma_start3A_46] : memref<640xi32, #tpu.memory_space<vmem>> -> memref<128xi32, #tpu.memory_space<vmem>>
      %dma_start3A_48 = arith.constant 0 : i32
      %dma_start3A_49 = arith.constant 0 : i32
      %dma_start3A_50 = tpu.memref_slice %arg3[%dma_start3A_48, %dma_start3A_49] : memref<2000000x64xf32, #tpu.memory_space<hbm>> -> memref<2000000x64xf32, #tpu.memory_space<hbm>>
      tpu.enqueue_indirect_dma source(%dma_start3A_50 : memref<2000000x64xf32, #tpu.memory_space<hbm>>) target(%dma_start3A_45 : memref<128x64xf32, #tpu.memory_space<vmem>>) offsets(%dma_start3A_47 : memref<128xi32, #tpu.memory_space<vmem>>) semaphore(%arg7 : memref<!tpu.dma_semaphore, #tpu.memory_space<semaphore_mem>>)
      %dma_wait3A = arith.constant 0 : i32
      %dma_wait3A_51 = arith.constant 0 : i32
      %dma_wait3A_52 = tpu.memref_slice %arg6[%dma_wait3A, %dma_wait3A_51] : memref<640x64xf32, #tpu.memory_space<vmem>> -> memref<128x64xf32, #tpu.memory_space<vmem>>
      %dma_wait3A_53 = arith.constant 0 : i32
      %dma_wait3A_54 = tpu.memref_slice %arg5[%dma_wait3A_53] : memref<640xi32, #tpu.memory_space<vmem>> -> memref<128xi32, #tpu.memory_space<vmem>>
      %dma_wait3A_55 = arith.constant 0 : i32
      %dma_wait3A_56 = arith.constant 0 : i32
      %dma_wait3A_57 = tpu.memref_slice %arg3[%dma_wait3A_55, %dma_wait3A_56] : memref<2000000x64xf32, #tpu.memory_space<hbm>> -> memref<2000000x64xf32, #tpu.memory_space<hbm>>
      tpu.wait_indirect_dma semaphore(%arg7 : memref<!tpu.dma_semaphore, #tpu.memory_space<semaphore_mem>>) src(%dma_wait3A_57 : memref<2000000x64xf32, #tpu.memory_space<hbm>>) dst(%dma_wait3A_52 : memref<128x64xf32, #tpu.memory_space<vmem>>)
      %dma_wait3A_58 = arith.constant 128 : i32
      %dma_wait3A_59 = arith.constant 0 : i32
      %dma_wait3A_60 = tpu.memref_slice %arg6[%dma_wait3A_58, %dma_wait3A_59] : memref<640x64xf32, #tpu.memory_space<vmem>> -> memref<128x64xf32, #tpu.memory_space<vmem>>
      %dma_wait3A_61 = arith.constant 128 : i32
      %dma_wait3A_62 = tpu.memref_slice %arg5[%dma_wait3A_61] : memref<640xi32, #tpu.memory_space<vmem>> -> memref<128xi32, #tpu.memory_space<vmem>>
      %dma_wait3A_63 = arith.constant 0 : i32
      %dma_wait3A_64 = arith.constant 0 : i32
      %dma_wait3A_65 = tpu.memref_slice %arg3[%dma_wait3A_63, %dma_wait3A_64] : memref<2000000x64xf32, #tpu.memory_space<hbm>> -> memref<2000000x64xf32, #tpu.memory_space<hbm>>
      tpu.wait_indirect_dma semaphore(%arg7 : memref<!tpu.dma_semaphore, #tpu.memory_space<semaphore_mem>>) src(%dma_wait3A_65 : memref<2000000x64xf32, #tpu.memory_space<hbm>>) dst(%dma_wait3A_60 : memref<128x64xf32, #tpu.memory_space<vmem>>)
      %dma_wait3A_66 = arith.constant 256 : i32
      %dma_wait3A_67 = arith.constant 0 : i32
      %dma_wait3A_68 = tpu.memref_slice %arg6[%dma_wait3A_66, %dma_wait3A_67] : memref<640x64xf32, #tpu.memory_space<vmem>> -> memref<128x64xf32, #tpu.memory_space<vmem>>
      %dma_wait3A_69 = arith.constant 256 : i32
      %dma_wait3A_70 = tpu.memref_slice %arg5[%dma_wait3A_69] : memref<640xi32, #tpu.memory_space<vmem>> -> memref<128xi32, #tpu.memory_space<vmem>>
      %dma_wait3A_71 = arith.constant 0 : i32
      %dma_wait3A_72 = arith.constant 0 : i32
      %dma_wait3A_73 = tpu.memref_slice %arg3[%dma_wait3A_71, %dma_wait3A_72] : memref<2000000x64xf32, #tpu.memory_space<hbm>> -> memref<2000000x64xf32, #tpu.memory_space<hbm>>
      tpu.wait_indirect_dma semaphore(%arg7 : memref<!tpu.dma_semaphore, #tpu.memory_space<semaphore_mem>>) src(%dma_wait3A_73 : memref<2000000x64xf32, #tpu.memory_space<hbm>>) dst(%dma_wait3A_68 : memref<128x64xf32, #tpu.memory_space<vmem>>)
      %dma_wait3A_74 = arith.constant 384 : i32
      %dma_wait3A_75 = arith.constant 0 : i32
      %dma_wait3A_76 = tpu.memref_slice %arg6[%dma_wait3A_74, %dma_wait3A_75] : memref<640x64xf32, #tpu.memory_space<vmem>> -> memref<128x64xf32, #tpu.memory_space<vmem>>
      %dma_wait3A_77 = arith.constant 384 : i32
      %dma_wait3A_78 = tpu.memref_slice %arg5[%dma_wait3A_77] : memref<640xi32, #tpu.memory_space<vmem>> -> memref<128xi32, #tpu.memory_space<vmem>>
      %dma_wait3A_79 = arith.constant 0 : i32
      %dma_wait3A_80 = arith.constant 0 : i32
      %dma_wait3A_81 = tpu.memref_slice %arg3[%dma_wait3A_79, %dma_wait3A_80] : memref<2000000x64xf32, #tpu.memory_space<hbm>> -> memref<2000000x64xf32, #tpu.memory_space<hbm>>
      tpu.wait_indirect_dma semaphore(%arg7 : memref<!tpu.dma_semaphore, #tpu.memory_space<semaphore_mem>>) src(%dma_wait3A_81 : memref<2000000x64xf32, #tpu.memory_space<hbm>>) dst(%dma_wait3A_76 : memref<128x64xf32, #tpu.memory_space<vmem>>)
      %dma_wait3A_82 = arith.constant 512 : i32
      %dma_wait3A_83 = arith.constant 0 : i32
      %dma_wait3A_84 = tpu.memref_slice %arg6[%dma_wait3A_82, %dma_wait3A_83] : memref<640x64xf32, #tpu.memory_space<vmem>> -> memref<128x64xf32, #tpu.memory_space<vmem>>
      %dma_wait3A_85 = arith.constant 512 : i32
      %dma_wait3A_86 = tpu.memref_slice %arg5[%dma_wait3A_85] : memref<640xi32, #tpu.memory_space<vmem>> -> memref<128xi32, #tpu.memory_space<vmem>>
      %dma_wait3A_87 = arith.constant 0 : i32
      %dma_wait3A_88 = arith.constant 0 : i32
      %dma_wait3A_89 = tpu.memref_slice %arg3[%dma_wait3A_87, %dma_wait3A_88] : memref<2000000x64xf32, #tpu.memory_space<hbm>> -> memref<2000000x64xf32, #tpu.memory_space<hbm>>
      tpu.wait_indirect_dma semaphore(%arg7 : memref<!tpu.dma_semaphore, #tpu.memory_space<semaphore_mem>>) src(%dma_wait3A_89 : memref<2000000x64xf32, #tpu.memory_space<hbm>>) dst(%dma_wait3A_84 : memref<128x64xf32, #tpu.memory_space<vmem>>)
      "tpu.region"() ({
        %run_scoped3A = tpu.sem_alloc : memref<!tpu.dma_semaphore, #tpu.memory_space<semaphore_mem>>
        %dma_start3A_90 = arith.constant 0 : i32
        %dma_start3A_91 = tpu.memref_slice %arg4[%add3A_11, %dma_start3A_90] : memref<204800x64xf32, #tpu.memory_space<hbm>> -> memref<640x64xf32, #tpu.memory_space<hbm>>
        %dma_start3A_92 = arith.constant 0 : i32
        %dma_start3A_93 = tpu.memref_slice %arg4[%add3A_11, %dma_start3A_92] : memref<204800x64xf32, #tpu.memory_space<hbm>> -> memref<640x64xf32, #tpu.memory_space<hbm>>
        tpu.enqueue_dma source(%arg6 : memref<640x64xf32, #tpu.memory_space<vmem>>) target(%dma_start3A_93 : memref<640x64xf32, #tpu.memory_space<hbm>>) target_semaphore(%run_scoped3A : memref<!tpu.dma_semaphore, #tpu.memory_space<semaphore_mem>>)
        %dma_wait3A_94 = arith.constant 0 : i32
        %dma_wait3A_95 = tpu.memref_slice %arg4[%add3A_11, %dma_wait3A_94] : memref<204800x64xf32, #tpu.memory_space<hbm>> -> memref<640x64xf32, #tpu.memory_space<hbm>>
        %dma_wait3A_96 = arith.constant 0 : i32
        %dma_wait3A_97 = tpu.memref_slice %arg4[%add3A_11, %dma_wait3A_96] : memref<204800x64xf32, #tpu.memory_space<hbm>> -> memref<640x64xf32, #tpu.memory_space<hbm>>
        tpu.wait_dma2 semaphore(%run_scoped3A : memref<!tpu.dma_semaphore, #tpu.memory_space<semaphore_mem>>) src(%arg6 : memref<640x64xf32, #tpu.memory_space<vmem>>) dst(%dma_wait3A_97 : memref<640x64xf32, #tpu.memory_space<hbm>>)
        tpu.yield
      }) : () -> ()
    }
    %scan3A_5 = arith.constant 10 : i32
    return
  }
}

module attributes {stable_mosaic.version = 14 : i64} {
  func.func @_noise_body(%arg0: i32, %arg1: memref<1024x128xf32, #tpu.memory_space<vmem>>) attributes {dimension_semantics = [#tpu.dimension_semantics<arbitrary>], iteration_bounds = array<i64: 100>, scalar_prefetch = 0 : i64, scratch_operands = 0 : i64, tpu.core_type = #tpu.core_type<tc>, window_params = [{transform_indices = @transform_0, window_bounds = array<i64: 1024, 128>}]} {
    %mul3A = arith.constant 131072 : i32
    %mul3A_0 = arith.muli %arg0, %mul3A : i32
    %iota3A = tpu.iota {dimensions = array<i32: 0>} : vector<1024x128xi32>
    %iota3A_1 = tpu.iota {dimensions = array<i32: 1>} : vector<1024x128xi32>
    %mul3A_2 = arith.constant 128 : i32
    %mul3A_3 = vector.broadcast %mul3A_2 : i32 to vector<1024x128xi32>
    %mul3A_4 = arith.muli %iota3A, %mul3A_3 : vector<1024x128xi32>
    %add3A = vector.broadcast %mul3A_0 : i32 to vector<1024x128xi32>
    %add3A_5 = arith.addi %add3A, %mul3A_4 : vector<1024x128xi32>
    %add3A_6 = arith.addi %add3A_5, %iota3A_1 : vector<1024x128xi32>
    %broadcast_in_dim3A = arith.constant 0 : i32
    %broadcast_in_dim3A_7 = vector.broadcast %broadcast_in_dim3A : i32 to vector<1024x128xi32>
    %add3A_8 = arith.constant 0 : i32
    %add3A_9 = vector.broadcast %add3A_8 : i32 to vector<1024x128xi32>
    %add3A_10 = arith.addi %broadcast_in_dim3A_7, %add3A_9 : vector<1024x128xi32>
    %add3A_11 = arith.constant 42 : i32
    %add3A_12 = vector.broadcast %add3A_11 : i32 to vector<1024x128xi32>
    %add3A_13 = arith.addi %add3A_6, %add3A_12 : vector<1024x128xi32>
    %add3A_14 = arith.addi %add3A_10, %add3A_13 : vector<1024x128xi32>
    %shift_left3A = arith.constant 13 : i32
    %shift_left3A_15 = vector.broadcast %shift_left3A : i32 to vector<1024x128xi32>
    %shift_left3A_16 = arith.shli %add3A_13, %shift_left3A_15 : vector<1024x128xi32>
    %shift_right_logical3A = arith.constant 19 : i32
    %shift_right_logical3A_17 = vector.broadcast %shift_right_logical3A : i32 to vector<1024x128xi32>
    %shift_right_logical3A_18 = arith.shrui %add3A_13, %shift_right_logical3A_17 : vector<1024x128xi32>
    %or3A = arith.ori %shift_left3A_16, %shift_right_logical3A_18 : vector<1024x128xi32>
    %xor3A = arith.xori %or3A, %add3A_14 : vector<1024x128xi32>
    %add3A_19 = arith.addi %add3A_14, %xor3A : vector<1024x128xi32>
    %shift_left3A_20 = arith.constant 15 : i32
    %shift_left3A_21 = vector.broadcast %shift_left3A_20 : i32 to vector<1024x128xi32>
    %shift_left3A_22 = arith.shli %xor3A, %shift_left3A_21 : vector<1024x128xi32>
    %shift_right_logical3A_23 = arith.constant 17 : i32
    %shift_right_logical3A_24 = vector.broadcast %shift_right_logical3A_23 : i32 to vector<1024x128xi32>
    %shift_right_logical3A_25 = arith.shrui %xor3A, %shift_right_logical3A_24 : vector<1024x128xi32>
    %or3A_26 = arith.ori %shift_left3A_22, %shift_right_logical3A_25 : vector<1024x128xi32>
    %xor3A_27 = arith.xori %or3A_26, %add3A_19 : vector<1024x128xi32>
    %add3A_28 = arith.addi %add3A_19, %xor3A_27 : vector<1024x128xi32>
    %shift_left3A_29 = arith.constant 26 : i32
    %shift_left3A_30 = vector.broadcast %shift_left3A_29 : i32 to vector<1024x128xi32>
    %shift_left3A_31 = arith.shli %xor3A_27, %shift_left3A_30 : vector<1024x128xi32>
    %shift_right_logical3A_32 = arith.constant 6 : i32
    %shift_right_logical3A_33 = vector.broadcast %shift_right_logical3A_32 : i32 to vector<1024x128xi32>
    %shift_right_logical3A_34 = arith.shrui %xor3A_27, %shift_right_logical3A_33 : vector<1024x128xi32>
    %or3A_35 = arith.ori %shift_left3A_31, %shift_right_logical3A_34 : vector<1024x128xi32>
    %xor3A_36 = arith.xori %or3A_35, %add3A_28 : vector<1024x128xi32>
    %add3A_37 = arith.addi %add3A_28, %xor3A_36 : vector<1024x128xi32>
    %shift_left3A_38 = arith.constant 6 : i32
    %shift_left3A_39 = vector.broadcast %shift_left3A_38 : i32 to vector<1024x128xi32>
    %shift_left3A_40 = arith.shli %xor3A_36, %shift_left3A_39 : vector<1024x128xi32>
    %shift_right_logical3A_41 = arith.constant 26 : i32
    %shift_right_logical3A_42 = vector.broadcast %shift_right_logical3A_41 : i32 to vector<1024x128xi32>
    %shift_right_logical3A_43 = arith.shrui %xor3A_36, %shift_right_logical3A_42 : vector<1024x128xi32>
    %or3A_44 = arith.ori %shift_left3A_40, %shift_right_logical3A_43 : vector<1024x128xi32>
    %xor3A_45 = arith.xori %or3A_44, %add3A_37 : vector<1024x128xi32>
    %add3A_46 = arith.constant 42 : i32
    %add3A_47 = vector.broadcast %add3A_46 : i32 to vector<1024x128xi32>
    %add3A_48 = arith.addi %add3A_37, %add3A_47 : vector<1024x128xi32>
    %add3A_49 = arith.constant 466689008 : i32
    %add3A_50 = vector.broadcast %add3A_49 : i32 to vector<1024x128xi32>
    %add3A_51 = arith.addi %xor3A_45, %add3A_50 : vector<1024x128xi32>
    %add3A_52 = arith.constant 1 : i32
    %add3A_53 = vector.broadcast %add3A_52 : i32 to vector<1024x128xi32>
    %add3A_54 = arith.addi %add3A_51, %add3A_53 : vector<1024x128xi32>
    %add3A_55 = arith.addi %add3A_48, %add3A_54 : vector<1024x128xi32>
    %shift_left3A_56 = arith.constant 17 : i32
    %shift_left3A_57 = vector.broadcast %shift_left3A_56 : i32 to vector<1024x128xi32>
    %shift_left3A_58 = arith.shli %add3A_54, %shift_left3A_57 : vector<1024x128xi32>
    %shift_right_logical3A_59 = arith.constant 15 : i32
    %shift_right_logical3A_60 = vector.broadcast %shift_right_logical3A_59 : i32 to vector<1024x128xi32>
    %shift_right_logical3A_61 = arith.shrui %add3A_54, %shift_right_logical3A_60 : vector<1024x128xi32>
    %or3A_62 = arith.ori %shift_left3A_58, %shift_right_logical3A_61 : vector<1024x128xi32>
    %xor3A_63 = arith.xori %or3A_62, %add3A_55 : vector<1024x128xi32>
    %add3A_64 = arith.addi %add3A_55, %xor3A_63 : vector<1024x128xi32>
    %shift_left3A_65 = arith.constant 29 : i32
    %shift_left3A_66 = vector.broadcast %shift_left3A_65 : i32 to vector<1024x128xi32>
    %shift_left3A_67 = arith.shli %xor3A_63, %shift_left3A_66 : vector<1024x128xi32>
    %shift_right_logical3A_68 = arith.constant 3 : i32
    %shift_right_logical3A_69 = vector.broadcast %shift_right_logical3A_68 : i32 to vector<1024x128xi32>
    %shift_right_logical3A_70 = arith.shrui %xor3A_63, %shift_right_logical3A_69 : vector<1024x128xi32>
    %or3A_71 = arith.ori %shift_left3A_67, %shift_right_logical3A_70 : vector<1024x128xi32>
    %xor3A_72 = arith.xori %or3A_71, %add3A_64 : vector<1024x128xi32>
    %add3A_73 = arith.addi %add3A_64, %xor3A_72 : vector<1024x128xi32>
    %shift_left3A_74 = arith.constant 16 : i32
    %shift_left3A_75 = vector.broadcast %shift_left3A_74 : i32 to vector<1024x128xi32>
    %shift_left3A_76 = arith.shli %xor3A_72, %shift_left3A_75 : vector<1024x128xi32>
    %shift_right_logical3A_77 = arith.constant 16 : i32
    %shift_right_logical3A_78 = vector.broadcast %shift_right_logical3A_77 : i32 to vector<1024x128xi32>
    %shift_right_logical3A_79 = arith.shrui %xor3A_72, %shift_right_logical3A_78 : vector<1024x128xi32>
    %or3A_80 = arith.ori %shift_left3A_76, %shift_right_logical3A_79 : vector<1024x128xi32>
    %xor3A_81 = arith.xori %or3A_80, %add3A_73 : vector<1024x128xi32>
    %add3A_82 = arith.addi %add3A_73, %xor3A_81 : vector<1024x128xi32>
    %shift_left3A_83 = arith.constant 24 : i32
    %shift_left3A_84 = vector.broadcast %shift_left3A_83 : i32 to vector<1024x128xi32>
    %shift_left3A_85 = arith.shli %xor3A_81, %shift_left3A_84 : vector<1024x128xi32>
    %shift_right_logical3A_86 = arith.constant 8 : i32
    %shift_right_logical3A_87 = vector.broadcast %shift_right_logical3A_86 : i32 to vector<1024x128xi32>
    %shift_right_logical3A_88 = arith.shrui %xor3A_81, %shift_right_logical3A_87 : vector<1024x128xi32>
    %or3A_89 = arith.ori %shift_left3A_85, %shift_right_logical3A_88 : vector<1024x128xi32>
    %xor3A_90 = arith.xori %or3A_89, %add3A_82 : vector<1024x128xi32>
    %add3A_91 = arith.constant 466689008 : i32
    %add3A_92 = vector.broadcast %add3A_91 : i32 to vector<1024x128xi32>
    %add3A_93 = arith.addi %add3A_82, %add3A_92 : vector<1024x128xi32>
    %add3A_94 = arith.constant 0 : i32
    %add3A_95 = vector.broadcast %add3A_94 : i32 to vector<1024x128xi32>
    %add3A_96 = arith.addi %xor3A_90, %add3A_95 : vector<1024x128xi32>
    %add3A_97 = arith.constant 2 : i32
    %add3A_98 = vector.broadcast %add3A_97 : i32 to vector<1024x128xi32>
    %add3A_99 = arith.addi %add3A_96, %add3A_98 : vector<1024x128xi32>
    %add3A_100 = arith.addi %add3A_93, %add3A_99 : vector<1024x128xi32>
    %shift_left3A_101 = arith.constant 13 : i32
    %shift_left3A_102 = vector.broadcast %shift_left3A_101 : i32 to vector<1024x128xi32>
    %shift_left3A_103 = arith.shli %add3A_99, %shift_left3A_102 : vector<1024x128xi32>
    %shift_right_logical3A_104 = arith.constant 19 : i32
    %shift_right_logical3A_105 = vector.broadcast %shift_right_logical3A_104 : i32 to vector<1024x128xi32>
    %shift_right_logical3A_106 = arith.shrui %add3A_99, %shift_right_logical3A_105 : vector<1024x128xi32>
    %or3A_107 = arith.ori %shift_left3A_103, %shift_right_logical3A_106 : vector<1024x128xi32>
    %xor3A_108 = arith.xori %or3A_107, %add3A_100 : vector<1024x128xi32>
    %add3A_109 = arith.addi %add3A_100, %xor3A_108 : vector<1024x128xi32>
    %shift_left3A_110 = arith.constant 15 : i32
    %shift_left3A_111 = vector.broadcast %shift_left3A_110 : i32 to vector<1024x128xi32>
    %shift_left3A_112 = arith.shli %xor3A_108, %shift_left3A_111 : vector<1024x128xi32>
    %shift_right_logical3A_113 = arith.constant 17 : i32
    %shift_right_logical3A_114 = vector.broadcast %shift_right_logical3A_113 : i32 to vector<1024x128xi32>
    %shift_right_logical3A_115 = arith.shrui %xor3A_108, %shift_right_logical3A_114 : vector<1024x128xi32>
    %or3A_116 = arith.ori %shift_left3A_112, %shift_right_logical3A_115 : vector<1024x128xi32>
    %xor3A_117 = arith.xori %or3A_116, %add3A_109 : vector<1024x128xi32>
    %add3A_118 = arith.addi %add3A_109, %xor3A_117 : vector<1024x128xi32>
    %shift_left3A_119 = arith.constant 26 : i32
    %shift_left3A_120 = vector.broadcast %shift_left3A_119 : i32 to vector<1024x128xi32>
    %shift_left3A_121 = arith.shli %xor3A_117, %shift_left3A_120 : vector<1024x128xi32>
    %shift_right_logical3A_122 = arith.constant 6 : i32
    %shift_right_logical3A_123 = vector.broadcast %shift_right_logical3A_122 : i32 to vector<1024x128xi32>
    %shift_right_logical3A_124 = arith.shrui %xor3A_117, %shift_right_logical3A_123 : vector<1024x128xi32>
    %or3A_125 = arith.ori %shift_left3A_121, %shift_right_logical3A_124 : vector<1024x128xi32>
    %xor3A_126 = arith.xori %or3A_125, %add3A_118 : vector<1024x128xi32>
    %add3A_127 = arith.addi %add3A_118, %xor3A_126 : vector<1024x128xi32>
    %shift_left3A_128 = arith.constant 6 : i32
    %shift_left3A_129 = vector.broadcast %shift_left3A_128 : i32 to vector<1024x128xi32>
    %shift_left3A_130 = arith.shli %xor3A_126, %shift_left3A_129 : vector<1024x128xi32>
    %shift_right_logical3A_131 = arith.constant 26 : i32
    %shift_right_logical3A_132 = vector.broadcast %shift_right_logical3A_131 : i32 to vector<1024x128xi32>
    %shift_right_logical3A_133 = arith.shrui %xor3A_126, %shift_right_logical3A_132 : vector<1024x128xi32>
    %or3A_134 = arith.ori %shift_left3A_130, %shift_right_logical3A_133 : vector<1024x128xi32>
    %xor3A_135 = arith.xori %or3A_134, %add3A_127 : vector<1024x128xi32>
    %add3A_136 = arith.constant 0 : i32
    %add3A_137 = vector.broadcast %add3A_136 : i32 to vector<1024x128xi32>
    %add3A_138 = arith.addi %add3A_127, %add3A_137 : vector<1024x128xi32>
    %add3A_139 = arith.constant 42 : i32
    %add3A_140 = vector.broadcast %add3A_139 : i32 to vector<1024x128xi32>
    %add3A_141 = arith.addi %xor3A_135, %add3A_140 : vector<1024x128xi32>
    %add3A_142 = arith.constant 3 : i32
    %add3A_143 = vector.broadcast %add3A_142 : i32 to vector<1024x128xi32>
    %add3A_144 = arith.addi %add3A_141, %add3A_143 : vector<1024x128xi32>
    %add3A_145 = arith.addi %add3A_138, %add3A_144 : vector<1024x128xi32>
    %shift_left3A_146 = arith.constant 17 : i32
    %shift_left3A_147 = vector.broadcast %shift_left3A_146 : i32 to vector<1024x128xi32>
    %shift_left3A_148 = arith.shli %add3A_144, %shift_left3A_147 : vector<1024x128xi32>
    %shift_right_logical3A_149 = arith.constant 15 : i32
    %shift_right_logical3A_150 = vector.broadcast %shift_right_logical3A_149 : i32 to vector<1024x128xi32>
    %shift_right_logical3A_151 = arith.shrui %add3A_144, %shift_right_logical3A_150 : vector<1024x128xi32>
    %or3A_152 = arith.ori %shift_left3A_148, %shift_right_logical3A_151 : vector<1024x128xi32>
    %xor3A_153 = arith.xori %or3A_152, %add3A_145 : vector<1024x128xi32>
    %add3A_154 = arith.addi %add3A_145, %xor3A_153 : vector<1024x128xi32>
    %shift_left3A_155 = arith.constant 29 : i32
    %shift_left3A_156 = vector.broadcast %shift_left3A_155 : i32 to vector<1024x128xi32>
    %shift_left3A_157 = arith.shli %xor3A_153, %shift_left3A_156 : vector<1024x128xi32>
    %shift_right_logical3A_158 = arith.constant 3 : i32
    %shift_right_logical3A_159 = vector.broadcast %shift_right_logical3A_158 : i32 to vector<1024x128xi32>
    %shift_right_logical3A_160 = arith.shrui %xor3A_153, %shift_right_logical3A_159 : vector<1024x128xi32>
    %or3A_161 = arith.ori %shift_left3A_157, %shift_right_logical3A_160 : vector<1024x128xi32>
    %xor3A_162 = arith.xori %or3A_161, %add3A_154 : vector<1024x128xi32>
    %add3A_163 = arith.addi %add3A_154, %xor3A_162 : vector<1024x128xi32>
    %shift_left3A_164 = arith.constant 16 : i32
    %shift_left3A_165 = vector.broadcast %shift_left3A_164 : i32 to vector<1024x128xi32>
    %shift_left3A_166 = arith.shli %xor3A_162, %shift_left3A_165 : vector<1024x128xi32>
    %shift_right_logical3A_167 = arith.constant 16 : i32
    %shift_right_logical3A_168 = vector.broadcast %shift_right_logical3A_167 : i32 to vector<1024x128xi32>
    %shift_right_logical3A_169 = arith.shrui %xor3A_162, %shift_right_logical3A_168 : vector<1024x128xi32>
    %or3A_170 = arith.ori %shift_left3A_166, %shift_right_logical3A_169 : vector<1024x128xi32>
    %xor3A_171 = arith.xori %or3A_170, %add3A_163 : vector<1024x128xi32>
    %add3A_172 = arith.addi %add3A_163, %xor3A_171 : vector<1024x128xi32>
    %shift_left3A_173 = arith.constant 24 : i32
    %shift_left3A_174 = vector.broadcast %shift_left3A_173 : i32 to vector<1024x128xi32>
    %shift_left3A_175 = arith.shli %xor3A_171, %shift_left3A_174 : vector<1024x128xi32>
    %shift_right_logical3A_176 = arith.constant 8 : i32
    %shift_right_logical3A_177 = vector.broadcast %shift_right_logical3A_176 : i32 to vector<1024x128xi32>
    %shift_right_logical3A_178 = arith.shrui %xor3A_171, %shift_right_logical3A_177 : vector<1024x128xi32>
    %or3A_179 = arith.ori %shift_left3A_175, %shift_right_logical3A_178 : vector<1024x128xi32>
    %xor3A_180 = arith.xori %or3A_179, %add3A_172 : vector<1024x128xi32>
    %add3A_181 = arith.constant 42 : i32
    %add3A_182 = vector.broadcast %add3A_181 : i32 to vector<1024x128xi32>
    %add3A_183 = arith.addi %add3A_172, %add3A_182 : vector<1024x128xi32>
    %add3A_184 = arith.constant 466689008 : i32
    %add3A_185 = vector.broadcast %add3A_184 : i32 to vector<1024x128xi32>
    %add3A_186 = arith.addi %xor3A_180, %add3A_185 : vector<1024x128xi32>
    %add3A_187 = arith.constant 4 : i32
    %add3A_188 = vector.broadcast %add3A_187 : i32 to vector<1024x128xi32>
    %add3A_189 = arith.addi %add3A_186, %add3A_188 : vector<1024x128xi32>
    %add3A_190 = arith.addi %add3A_183, %add3A_189 : vector<1024x128xi32>
    %shift_left3A_191 = arith.constant 13 : i32
    %shift_left3A_192 = vector.broadcast %shift_left3A_191 : i32 to vector<1024x128xi32>
    %shift_left3A_193 = arith.shli %add3A_189, %shift_left3A_192 : vector<1024x128xi32>
    %shift_right_logical3A_194 = arith.constant 19 : i32
    %shift_right_logical3A_195 = vector.broadcast %shift_right_logical3A_194 : i32 to vector<1024x128xi32>
    %shift_right_logical3A_196 = arith.shrui %add3A_189, %shift_right_logical3A_195 : vector<1024x128xi32>
    %or3A_197 = arith.ori %shift_left3A_193, %shift_right_logical3A_196 : vector<1024x128xi32>
    %xor3A_198 = arith.xori %or3A_197, %add3A_190 : vector<1024x128xi32>
    %add3A_199 = arith.addi %add3A_190, %xor3A_198 : vector<1024x128xi32>
    %shift_left3A_200 = arith.constant 15 : i32
    %shift_left3A_201 = vector.broadcast %shift_left3A_200 : i32 to vector<1024x128xi32>
    %shift_left3A_202 = arith.shli %xor3A_198, %shift_left3A_201 : vector<1024x128xi32>
    %shift_right_logical3A_203 = arith.constant 17 : i32
    %shift_right_logical3A_204 = vector.broadcast %shift_right_logical3A_203 : i32 to vector<1024x128xi32>
    %shift_right_logical3A_205 = arith.shrui %xor3A_198, %shift_right_logical3A_204 : vector<1024x128xi32>
    %or3A_206 = arith.ori %shift_left3A_202, %shift_right_logical3A_205 : vector<1024x128xi32>
    %xor3A_207 = arith.xori %or3A_206, %add3A_199 : vector<1024x128xi32>
    %add3A_208 = arith.addi %add3A_199, %xor3A_207 : vector<1024x128xi32>
    %shift_left3A_209 = arith.constant 26 : i32
    %shift_left3A_210 = vector.broadcast %shift_left3A_209 : i32 to vector<1024x128xi32>
    %shift_left3A_211 = arith.shli %xor3A_207, %shift_left3A_210 : vector<1024x128xi32>
    %shift_right_logical3A_212 = arith.constant 6 : i32
    %shift_right_logical3A_213 = vector.broadcast %shift_right_logical3A_212 : i32 to vector<1024x128xi32>
    %shift_right_logical3A_214 = arith.shrui %xor3A_207, %shift_right_logical3A_213 : vector<1024x128xi32>
    %or3A_215 = arith.ori %shift_left3A_211, %shift_right_logical3A_214 : vector<1024x128xi32>
    %xor3A_216 = arith.xori %or3A_215, %add3A_208 : vector<1024x128xi32>
    %add3A_217 = arith.addi %add3A_208, %xor3A_216 : vector<1024x128xi32>
    %shift_left3A_218 = arith.constant 6 : i32
    %shift_left3A_219 = vector.broadcast %shift_left3A_218 : i32 to vector<1024x128xi32>
    %shift_left3A_220 = arith.shli %xor3A_216, %shift_left3A_219 : vector<1024x128xi32>
    %shift_right_logical3A_221 = arith.constant 26 : i32
    %shift_right_logical3A_222 = vector.broadcast %shift_right_logical3A_221 : i32 to vector<1024x128xi32>
    %shift_right_logical3A_223 = arith.shrui %xor3A_216, %shift_right_logical3A_222 : vector<1024x128xi32>
    %or3A_224 = arith.ori %shift_left3A_220, %shift_right_logical3A_223 : vector<1024x128xi32>
    %xor3A_225 = arith.xori %or3A_224, %add3A_217 : vector<1024x128xi32>
    %add3A_226 = arith.constant 466689008 : i32
    %add3A_227 = vector.broadcast %add3A_226 : i32 to vector<1024x128xi32>
    %add3A_228 = arith.addi %add3A_217, %add3A_227 : vector<1024x128xi32>
    %add3A_229 = arith.constant 0 : i32
    %add3A_230 = vector.broadcast %add3A_229 : i32 to vector<1024x128xi32>
    %add3A_231 = arith.addi %xor3A_225, %add3A_230 : vector<1024x128xi32>
    %add3A_232 = arith.constant 5 : i32
    %add3A_233 = vector.broadcast %add3A_232 : i32 to vector<1024x128xi32>
    %add3A_234 = arith.addi %add3A_231, %add3A_233 : vector<1024x128xi32>
    %xor3A_235 = arith.xori %add3A_228, %add3A_234 : vector<1024x128xi32>
    %shift_right_logical3A_236 = arith.constant 9 : i32
    %shift_right_logical3A_237 = vector.broadcast %shift_right_logical3A_236 : i32 to vector<1024x128xi32>
    %shift_right_logical3A_238 = arith.shrui %xor3A_235, %shift_right_logical3A_237 : vector<1024x128xi32>
    %or3A_239 = arith.constant 1065353216 : i32
    %or3A_240 = vector.broadcast %or3A_239 : i32 to vector<1024x128xi32>
    %or3A_241 = arith.ori %shift_right_logical3A_238, %or3A_240 : vector<1024x128xi32>
    %bitcast_convert_type3A = tpu.bitcast %or3A_241 : vector<1024x128xi32> -> vector<1024x128xf32>
    %sub3A = arith.constant 1.000000e+00 : f32
    %sub3A_242 = vector.broadcast %sub3A : f32 to vector<1024x128xf32>
    %sub3A_243 = arith.subf %bitcast_convert_type3A, %sub3A_242 : vector<1024x128xf32>
    %mul3A_244 = arith.constant 2.000000e+00 : f32
    %mul3A_245 = vector.broadcast %mul3A_244 : f32 to vector<1024x128xf32>
    %mul3A_246 = arith.mulf %sub3A_243, %mul3A_245 : vector<1024x128xf32>
    %add3A_247 = arith.constant -1.000000e+00 : f32
    %add3A_248 = vector.broadcast %add3A_247 : f32 to vector<1024x128xf32>
    %add3A_249 = arith.addf %mul3A_246, %add3A_248 : vector<1024x128xf32>
    %max3A = arith.constant -1.000000e+00 : f32
    %max3A_250 = vector.broadcast %max3A : f32 to vector<1024x128xf32>
    %max3A_251 = arith.maximumf %max3A_250, %add3A_249 : vector<1024x128xf32>
    %mul3A_252 = arith.constant 0.0883883461 : f32
    %mul3A_253 = vector.broadcast %mul3A_252 : f32 to vector<1024x128xf32>
    %mul3A_254 = arith.mulf %max3A_251, %mul3A_253 : vector<1024x128xf32>
    %swap3A = arith.constant 0 : index
    %swap3A_255 = arith.constant 0 : index
    %swap3A_256 = vector.load %arg1[%swap3A, %swap3A_255] : memref<1024x128xf32, #tpu.memory_space<vmem>>, vector<1024x128xf32>
    tpu.vector_store %arg1[%swap3A, %swap3A_255], %mul3A_254 {strides = array<i32>} : memref<1024x128xf32, #tpu.memory_space<vmem>>, vector<1024x128xf32>,
    return
  }
  func.func @transform_0(%arg0: i32) -> (i32, i32) {
    %c0_i32 = arith.constant 0 : i32
    %c0_i32_0 = arith.constant 0 : i32
    return %arg0, %c0_i32 : i32, i32
  }
}

module attributes {stable_mosaic.version = 14 : i64} {
  func.func @_xpose_body(%arg0: i32, %arg1: memref<64x8192xf32, #tpu.memory_space<vmem>>, %arg2: memref<8192x128xf32, #tpu.memory_space<vmem>>) attributes {dimension_semantics = [#tpu.dimension_semantics<arbitrary>], iteration_bounds = array<i64: 123>, scalar_prefetch = 0 : i64, scratch_operands = 0 : i64, tpu.core_type = #tpu.core_type<tc>, window_params = [{transform_indices = @transform_0, window_bounds = array<i64: 64, 8192>}, {transform_indices = @transform_1, window_bounds = array<i64: 8192, 128>}]} {
    %get3A = arith.constant 0 : index
    %get3A_0 = arith.constant 0 : index
    %get3A_1 = vector.load %arg1[%get3A, %get3A_0] : memref<64x8192xf32, #tpu.memory_space<vmem>>, vector<64x8192xf32>
    %transpose3A = tpu.transpose %get3A_1, [1, 0] : vector<64x8192xf32> -> vector<8192x64xf32>
    %concatenate3A = tpu.concatenate %transpose3A, %transpose3A in 1 : vector<8192x64xf32>, vector<8192x64xf32> -> vector<8192x128xf32>
    %swap3A = arith.constant 0 : index
    %swap3A_2 = arith.constant 0 : index
    %swap3A_3 = vector.load %arg2[%swap3A, %swap3A_2] : memref<8192x128xf32, #tpu.memory_space<vmem>>, vector<8192x128xf32>
    tpu.vector_store %arg2[%swap3A, %swap3A_2], %concatenate3A {strides = array<i32>} : memref<8192x128xf32, #tpu.memory_space<vmem>>, vector<8192x128xf32>,
    return
  }
  func.func @transform_0(%arg0: i32) -> (i32, i32) {
    %c0_i32 = arith.constant 0 : i32
    %c0_i32_0 = arith.constant 0 : i32
    return %c0_i32, %arg0 : i32, i32
  }
  func.func @transform_1(%arg0: i32) -> (i32, i32) {
    %c0_i32 = arith.constant 0 : i32
    %c0_i32_0 = arith.constant 0 : i32
    return %arg0, %c0_i32 : i32, i32
  }
}

module attributes {stable_mosaic.version = 14 : i64} {
  func.func @_add_body(%arg0: i32, %arg1: memref<2048x128xf32, #tpu.memory_space<vmem>>, %arg2: memref<2048x128xf32, #tpu.memory_space<vmem>>, %arg3: memref<2048x128xf32, #tpu.memory_space<vmem>>) attributes {dimension_semantics = [#tpu.dimension_semantics<arbitrary>], iteration_bounds = array<i64: 50>, scalar_prefetch = 0 : i64, scratch_operands = 0 : i64, tpu.core_type = #tpu.core_type<tc>, window_params = [{transform_indices = @transform_0, window_bounds = array<i64: 2048, 128>}, {transform_indices = @transform_1, window_bounds = array<i64: 2048, 128>}, {transform_indices = @transform_2, window_bounds = array<i64: 2048, 128>}]} {
    %get3A = arith.constant 0 : index
    %get3A_0 = arith.constant 0 : index
    %get3A_1 = vector.load %arg1[%get3A, %get3A_0] : memref<2048x128xf32, #tpu.memory_space<vmem>>, vector<2048x128xf32>
    %get3A_2 = arith.constant 0 : index
    %get3A_3 = arith.constant 0 : index
    %get3A_4 = vector.load %arg2[%get3A_2, %get3A_3] : memref<2048x128xf32, #tpu.memory_space<vmem>>, vector<2048x128xf32>
    %add3A = arith.addf %get3A_1, %get3A_4 : vector<2048x128xf32>
    %swap3A = arith.constant 0 : index
    %swap3A_5 = arith.constant 0 : index
    %swap3A_6 = vector.load %arg3[%swap3A, %swap3A_5] : memref<2048x128xf32, #tpu.memory_space<vmem>>, vector<2048x128xf32>
    tpu.vector_store %arg3[%swap3A, %swap3A_5], %add3A {strides = array<i32>} : memref<2048x128xf32, #tpu.memory_space<vmem>>, vector<2048x128xf32>,
    return
  }
  func.func @transform_0(%arg0: i32) -> (i32, i32) {
    %c0_i32 = arith.constant 0 : i32
    %c0_i32_0 = arith.constant 0 : i32
    return %arg0, %c0_i32 : i32, i32
  }
  func.func @transform_1(%arg0: i32) -> (i32, i32) {
    %c0_i32 = arith.constant 0 : i32
    %c0_i32_0 = arith.constant 0 : i32
    return %arg0, %c0_i32 : i32, i32
  }
  func.func @transform_2(%arg0: i32) -> (i32, i32) {
    %c0_i32 = arith.constant 0 : i32
    %c0_i32_0 = arith.constant 0 : i32
    return %arg0, %c0_i32 : i32, i32
  }
}

</mosaic_0001>

<sc_bundles>
// kernel: kernel.6.cloned.1.call-start
scs
__scs_entry_jumppad:
0x0: {  	(pc) =	sbr.rel $0x88, $3  }
0x1: {  	(tag) =	ssettag $0x0;
	lr =	simm.s32 $0x1  }
0x2: {  	[smem:$0x3F9F] =	sst lr;
	_ =	strace $0xD0000000  }
0x3: {  	_ = 	snop  }
0x4: {  	_ = 	snop  }
0x5: {  	_ = 	snop  }
0x6: {  	_ = 	snop  }
0x7: {  	_ = 	snop  }
__scs_overlays_trampoline_lowered:
0x8: {  	[smem:$0x3FAE] =	sst s0  }
0x9: {  	[smem:$0x3FAF] =	sst s1  }
0xa: {  	[smem:$0x3FB0] =	sst s2  }
0xb: {  	[smem:$0x3FB1] =	sst s3  }
0xc: {  	[smem:$0x3FB2] =	sst s4  }
0xd: {  	[smem:$0x3FB3] =	sst s5  }
0xe: {  	[smem:$0x3FB4] =	sst s6  }
0xf: {  	[smem:$0x3FB5] =	sst s7  }
0x10: {  	[smem:$0x3FB6] =	sst s8  }
0x11: {  	[smem:$0x3FB7] =	sst s9;
	s0 =	simm.s32 @!p0 $0x0  }
0x12: {  	s1 =	sld [smem:$0x3F9D];
	s0 =	simm.s32 @p0 $0x1  }
0x13: {  	[smem:$0x3FB8] =	sst s0;
	s0 =	simm.s32 @!p1 $0x0  }
0x14: {  	s2 =	sld [smem:$0x3F9C];
	s0 =	simm.s32 @p1 $0x1  }
0x15: {  	[smem:$0x3FB9] =	sst s0;
	s0 =	simm.s32 @!p2 $0x0  }
0x16: {  	s3 =	sld [smem:$0x3FDB];
	s0 =	simm.s32 @p2 $0x1  }
0x17: {  	s4 =	simm.s32 $0x1BF5;
	[smem:$0x3FBB] =	sst s0  }
0x18: {  	s0 =	sld [smem:$0x3F9E];
	_ =	swait.ge [sflag:s4], $0x0  }
0x19: {  	s7 =	sld [smem:$0x3F9F]  }
0x1a: {  	s8 =	sadd.s32 $0xFFFFE003, lr  }
0x1b: {  	s9 =	sadd.s32 $0xFFFFFEF7, lr;
	s5 =	simm.s32 $0xFFFFFFFF;
	p2 =	slt.u32 s8, $0xFFFFF086  }
0x1c: {  	p1 =	slt.u32 s9, $0xF7A;
	s5 =	simm.s32 @!p2 $0x0  }
0x1d: {  	s5 =	simm.s32 @p1 $0x1;
	p0 =	seq.s32 s7, s2  }
0x1e: {  	s7 =	smul.u32 @!p0 $0xF7A, s2;
	p2 =	seq.s32 @!p0 s5, $0x0  }
0x1f: {  	s9 =	smul.u32 $0xF7A, s1;
	s8 =	simm.s32 @!p0 $0x1BF5;
	p2 =	por !p2, p0  }
0x20: {  	[sflag:s8] =	ssyncset.s32 @!p0 $0xFFFFF086;
	s6 =	sadd.s32 @!p0 s3, s7;
	s7 =	simm.s32 @!p0 $0x108  }
0x21: {  	s3 =	sadd.s32 s3, s9;
	s6 =	sadd.s32 @!p0 $0x88, s6;
	s7 =	simm.s32 @p2 $0x1082  }
0x22: {  	[simem:s7], [sflag:s8] =	dma.local @!p0 [hbm:s6], $0xF7A  }
0x23: {  	s9 =	sor.u32 $0xD0000000, s2;
	s6 =	simm.s32 $0x108;
	_ =	swait.ge @!p0 [sflag:s8], $0x0  }
0x24: {  	s3 =	sadd.s32 $0x88, s3;
	s6 =	simm.s32 @!p1 $0x1082;
	[sflag:s4] =	ssyncset.s32 $0xFFFFF086  }
0x25: {  	[simem:s6], [sflag:s4] =	dma.local [hbm:s3], $0xF7A  }
0x26: {  	[smem:$0x3F9F] =	sst s1;
	(tag) =	ssettag s2;
	_ =	strace s9  }
0x27: {  	s1 =	sld [smem:$0x3FAF]  }
0x28: {  	s2 =	sld [smem:$0x3FB0]  }
0x29: {  	s4 =	sld [smem:$0x3FB2]  }
0x2a: {  	p0 =	seq.s32 s5, $0x0;
	s5 =	sld [smem:$0x3FB3]  }
0x2b: {  	s6 =	sld [smem:$0x3FB4]  }
0x2c: {  	s7 =	sld [smem:$0x3FB5]  }
0x2d: {  	s3 =	simm.s32 $0x108;
	s8 =	sld [smem:$0x3FB6]  }
0x2e: {  	s3 =	simm.s32 @!p0 $0x1082;
	s9 =	sld [smem:$0x3FB7]  }
0x2f: {  	lr =	sadd.s32 s0, s3;
	s0 =	sld [smem:$0x3FAE]  }
0x30: {  	s3 =	sld [smem:$0x3FB1]  }
0x31: {  	[smem:$0x3FBA] =	sst s10  }
0x32: {  	s10 =	sld [smem:$0x3FB8];
	_ =	sdelay $0x3  }
0x33: {  	p0 =	seq.s32 s10, $0x1;
	s10 =	sld [smem:$0x3FBA];
	_ =	sdelay $0x3  }
0x34: {  	[smem:$0x3FBA] =	sst s10  }
0x35: {  	s10 =	sld [smem:$0x3FB9];
	_ =	sdelay $0x3  }
0x36: {  	p1 =	seq.s32 s10, $0x1;
	s10 =	sld [smem:$0x3FBA];
	_ =	sdelay $0x3  }
0x37: {  	[smem:$0x3FBA] =	sst s10  }
0x38: {  	s10 =	sld [smem:$0x3FBB]  }
0x39: {  	_ = 	snop;
	(pc) =	sbr.ind lr, $3  }
0x3a: {  	_ = 	snop  }
0x3b: {  	_ = 	snop  }
0x3c: {  	p2 =	seq.s32 s10, $0x1;
	s10 =	sld [smem:$0x3FBA]  }
0x3d: {  	_ =	shalt  }
0x3e: {  	_ =	shalt  }
0x3f: {  	_ =	shalt  }
0x40: {  	_ =	shalt  }
0x41: {  	_ =	shalt  }
0x42: {  	_ =	shalt  }
0x43: {  	_ =	shalt  }
0x44: {  	_ =	shalt  }
0x45: {  	_ =	shalt  }
0x46: {  	_ =	shalt  }
0x47: {  	_ =	shalt  }
0x48: {  	_ =	shalt  }
0x49: {  	_ =	shalt  }
0x4a: {  	_ =	shalt  }
0x4b: {  	_ =	shalt  }
0x4c: {  	_ =	shalt  }
0x4d: {  	_ =	shalt  }
0x4e: {  	_ =	shalt  }
0x4f: {  	_ =	shalt  }
0x50: {  	_ =	shalt  }
0x51: {  	_ =	shalt  }
0x52: {  	_ =	shalt  }
0x53: {  	_ =	shalt  }
0x54: {  	_ =	shalt  }
0x55: {  	_ =	shalt  }
0x56: {  	_ =	shalt  }
0x57: {  	_ =	shalt  }
0x58: {  	_ =	shalt  }
0x59: {  	_ =	shalt  }
0x5a: {  	_ =	shalt  }
0x5b: {  	_ =	shalt  }
0x5c: {  	_ =	shalt  }
0x5d: {  	_ =	shalt  }
0x5e: {  	_ =	shalt  }
0x5f: {  	_ =	shalt  }
0x60: {  	_ =	shalt  }
0x61: {  	_ =	shalt  }
0x62: {  	_ =	shalt  }
0x63: {  	_ =	shalt  }
0x64: {  	_ =	shalt  }
0x65: {  	_ =	shalt  }
0x66: {  	_ =	shalt  }
0x67: {  	_ =	shalt  }
0x68: {  	_ =	shalt  }
0x69: {  	_ =	shalt  }
0x6a: {  	_ =	shalt  }
0x6b: {  	_ =	shalt  }
0x6c: {  	_ =	shalt  }
0x6d: {  	_ =	shalt  }
0x6e: {  	_ =	shalt  }
0x6f: {  	_ =	shalt  }
0x70: {  	_ =	shalt  }
0x71: {  	_ =	shalt  }
0x72: {  	_ =	shalt  }
0x73: {  	_ =	shalt  }
0x74: {  	_ =	shalt  }
0x75: {  	_ =	shalt  }
0x76: {  	_ =	shalt  }
0x77: {  	_ =	shalt  }
0x78: {  	_ =	shalt  }
0x79: {  	_ =	shalt  }
0x7a: {  	_ =	shalt  }
0x7b: {  	_ =	shalt  }
0x7c: {  	_ =	shalt  }
0x7d: {  	_ =	shalt  }
0x7e: {  	_ =	shalt  }
0x7f: {  	_ =	shalt  }
0x80: {  	_ =	shalt  }
0x81: {  	_ =	shalt  }
0x82: {  	_ =	shalt  }
0x83: {  	_ =	shalt  }
0x84: {  	_ =	shalt  }
0x85: {  	_ =	shalt  }
0x86: {  	_ =	shalt  }
0x87: {  	_ =	shalt  }
.Lfunc_end0:
.L_simem_size_0:
called_computation.1_lowered:
.L_overlay_start_0:
0x88: {  	s2 =	sld [smem:$0x3FD9]  }
0x89: {  	s3 =	sld [smem:$0x3FFE];
	_ =	sdelay $0x1  }
0x8a: {  	s1 =	srdreg.scid  }
0x8b: {  	s0 =	sand.u32 $0x1, s1  }
0x8c: {  	s16 =	sshll.u32 s0, $0xA;
	s2 =	sadd.s32 s3, s2  }
0x8d: {  	s2 =	sadd.s32 s2, s16  }
0x8e: {  	[smem:$0x3FC6] =	sst s2  }
0x8f: {  	_ = 	snop  }
0x90: {  	(tm) =	ssettm $0x1  }
0x91: {  	s17 =	sld [smem:$0x3FFB];
	_ =	sdelay $0x3  }
0x92: {  	_ =	strace s17  }
0x93: {  	s2 =	sld [smem:$0x3FFC];
	_ =	sdelay $0x3  }
0x94: {  	_ =	strace s2  }
0x95: {  	s2 =	sld [smem:$0x3FFD];
	_ =	sdelay $0x3  }
0x96: {  	_ =	strace s2  }
0x97: {  	_ =	strace $0x8FFFFFFF  }
0x98: {  	s18 =	sld [smem:$0x3FDB];
	_ =	sdelay $0x1  }
0x99: {  	s19 =	simm.s32 $_scs_section_size  }
0x9a: {  	s4 =	simm.s32 $_size__tile_overlayer_lowered;
	s5 =	simm.s32 $_tile_overlayer_lowered  }
0x9b: {  	s22 =	simm.s32 $0x1BFF;
	s21 =	sshll.u32 s5, $0x1;
	s2 =	sadd.s32 s19, s18  }
0x9c: {  	s6 =	simm.s32 $0x0;
	s20 =	sshll.u32 s4, $0x1;
	s4 =	sadd.s32 s21, s2  }
0x9d: {  	[timem:s6], [sflag:s22] =	dma.local [hbm:s4], s20  }
0x9e: {  	_ =	swait.ge [sflag:s22], s20  }
0x9f: {  	s3 =	ssub.s32 $0x0, s20;
	[sflag:s22] =	ssyncset.done $0x0  }
0xa0: {  	[sflag:s22] =	ssyncadd.s32 s3;
	_ =	sdelay $0x1  }
0xa1: {  	s23 =	simm.s32 $0x1B8B  }
0xa2: {  	_ =	swait.ge [sflag:s23], $0x1  }
0xa3: {  	[sflag:s23] =	ssyncset.done $0x0  }
0xa4: {  	s25 =	simm.s32 $0x1B8E;
	s24 =	sld [smem:$0x3FFE];
	[sflag:s23] =	ssyncadd.s32 $0xFFFFFFFF  }
0xa5: {  	s26 =	simm.s32 $execute0_lowered;
	[smem:$0x3FD2] =	sst s25  }
0xa6: {  	s4 =	sshll.u32 s26, $0x1;
	_ =	strace $0x80000046;
	[dreg:$0x1] =	wrdreg $0xFFFFFFFF  }
0xa7: {  	s28 =	simm.s32 $_size_execute0_lowered;
	s2 =	sadd.s32 s2, s4;
	[dreg:$0x0] =	wrdreg $0x0  }
0xa8: {  	s4 =	sshll.u32 s28, $0x1;
	[dreg:$0x2] =	wrdreg s2  }
0xa9: {  	[dreg:$0x3] =	wrdreg s4  }
0xaa: {  	[dreg:$0x4] =	wrdreg $0xC0  }
0xab: {  	_ =	task [dreg:s6], $0x5FFFF  }
0xac: {  	[dreg:$0x1] =	wrdreg $0xFFFFFFFF  }
0xad: {  	[dreg:$0x0] =	wrdreg $0x60  }
0xae: {  	[dreg:$0x2] =	wrdreg s24  }
0xaf: {  	[dreg:$0x3] =	wrdreg $0x9  }
0xb0: {  	_ =	task.clear_ibuf [dreg:s6], $0x4FFFF;
	_ =	strace $0x90000046  }
0xb1: {  	s29 =	simm.s32 $0x9;
	_ =	strace $0x80000048  }
0xb2: {  	_ =	swait.ge [sflag:s29], $0x1  }
0xb3: {  	[sflag:s29] =	ssyncadd.s32 $0xFFFFFFFF  }
0xb4: {  	_ =	strace $0x90000048  }
0xb5: {  	_ =	sfence  }
0xb6: {  	s30 =	sld [smem:$0x0];
	_ =	sdelay $0x2  }
0xb7: {  	s31 =	sshll.u32 s1, $0xD;
	s1 =	sshrl.u32 s1, $0x2  }
0xb8: {  	s3 =	sand.u32 $0x4000, s31;
	s1 =	sadd.s32 s1, s30  }
0xb9: {  	s0 =	sor.u32 s3, s0;
	s1 =	sshll.u32 s1, $0x11  }
0xba: {  	s0 =	sor.u32 s1, s0  }
0xbb: {  	s0 =	sadd.s32 $0x8F2B, s0  }
0xbc: {  	[sflag:s0] =	ssyncadd.remote.s32 $0x1  }
0xbd: {  	_ =	sfence.sel $0xFFFF  }
0xbe: {  	[dreg:$0x0] =	wrdreg $0xFFFFFFFF;
	(pc) =	sbr.abs _section_cstart, $3  }
0xbf: {  	[dreg:$0x1] =	wrdreg $0xFFFFFFFF  }
0xc0: {  	_ =	task.clear_ibuf [dreg:s6], $0x2FFFF;
	_ =	strace $0x9FFFFFFF  }
0xc1: {  	(tm) =	ssettm $0x7FFFFFFF  }
tec
execute0_lowered:
.L_overlay_start_1:
0x0: {  	(tag) =	ssettag $0x1  }
0x1: {  	s1 =	srdreg.scid  }
0x2: {  	s0 =	stileid.u32;
	s3 =	rddreg [dreg:$0x0]  }
0x3: {  	s2 =	simm.s32 $0x0;
	s9 =	simm.s32 $0x280;
	s10 =	simm.s32 $0x2280  }
0x4: {  	s11 =	simm.s32 $0x100;
	s12 =	simm.s32 $0x4280;
	s13 =	simm.s32 $0x180  }
0x5: {  	s14 =	simm.s32 $0x6280;
	s15 =	simm.s32 $0x200;
	s16 =	simm.s32 $0x8280  }
0x6: {  	s17 =	simm.s32 $0x1;
	s4 =	sand.u32 $0x1, s1;
	s5 =	smul.u32 $0x3200, s0  }
0x7: {  	s18 =	simm.s32 $0x0;
	[smem:$0x7FF] =	sst s2;
	s6 =	smul.u32 $0x1900, s4  }
0x8: {  	s1 =	rddreg [dreg:$0x1];
	s29 =	smul.u32 $0x19000, s0;
	_ =	strace $0x80000047  }
0x9: {  	s7 =	ssub.s32 $0x2, s4;
	s4 =	smul.u32 $0xC800, s4;
	s5 =	sadd.s32 s6, s5  }
0xa: {  	s30 =	sadd.s32 s29, s3;
	s31 =	sshrl.u32 s7, $0x1;
	s5 =	sshrl.u32 s5, $0x3  }
0xb: {  	s6 =	ssub.s32 s7, s31;
	s7 =	simm.s32 $0x2;
	s8 =	sadd.s32 s5, s3  }
0xc: {  	s3 =	sadd.s32 $0xA00, s3;
	s5 =	sadd.s32 s4, s30;
	s4 =	smax.u32 s6, $0x1  }
0xd: {  	s5 =	sadd.s32 $0xF49200, s5;
	s6 =	sadd.s32 $0xF42E00, s8;
	s8 =	simm.s32 $0x80  }
.LBB2_1:
0xe: {  	s19 =	sadd.s32 $0x0, s6  }
0xf: {  	[tilespmem:s2], [sflag:$0x2] =	stream.linear.gather [hbm4b:s19+s2], $0x280, $0x38;
	[tilespmem:$0xA280] =	vst v63  }
0x10: {  	_ =	swait.ge [sflag:s7], $0x280  }
0x11: {  	[sflag:s7] =	ssyncset.done $0x0  }
0x12: {  	[sflag:s7] =	ssyncadd.s32 $0xFFFFFD80  }
0x13: {  	[tilespmem:s9], [sflag:$0x1] =	stream.indirect.gather [hbm4b:s3+s8], $0x40, s2, s8, $0xb8;
	[tilespmem:$0xA280] =	vst v63  }
0x14: {  	_ = 	snop  }
0x15: {  	[tilespmem:s10], [sflag:$0x1] =	stream.indirect.gather [hbm4b:s3+s8], $0x40, s8, s8, $0xb8;
	[tilespmem:$0xA280] =	vst v63  }
0x16: {  	_ = 	snop  }
0x17: {  	[tilespmem:s12], [sflag:$0x1] =	stream.indirect.gather [hbm4b:s3+s8], $0x40, s11, s8, $0xb8;
	[tilespmem:$0xA280] =	vst v63  }
0x18: {  	_ = 	snop  }
0x19: {  	[tilespmem:s14], [sflag:$0x1] =	stream.indirect.gather [hbm4b:s3+s8], $0x40, s13, s8, $0xb8;
	[tilespmem:$0xA280] =	vst v63  }
0x1a: {  	_ = 	snop  }
0x1b: {  	[tilespmem:s16], [sflag:$0x1] =	stream.indirect.gather [hbm4b:s3+s8], $0x40, s15, s8, $0xb8;
	[tilespmem:$0xA280] =	vst v63  }
0x1c: {  	_ =	swait.ge [sflag:s17], $0x2000  }
0x1d: {  	[sflag:s17] =	ssyncset.done $0x0  }
0x1e: {  	[sflag:s17] =	ssyncadd.s32 $0xFFFFE000  }
0x1f: {  	_ =	swait.ge [sflag:s17], $0x2000  }
0x20: {  	[sflag:s17] =	ssyncset.done $0x0  }
0x21: {  	[sflag:s17] =	ssyncadd.s32 $0xFFFFE000  }
0x22: {  	_ =	swait.ge [sflag:s17], $0x2000  }
0x23: {  	[sflag:s17] =	ssyncset.done $0x0  }
0x24: {  	[sflag:s17] =	ssyncadd.s32 $0xFFFFE000  }
0x25: {  	_ =	swait.ge [sflag:s17], $0x2000  }
0x26: {  	[sflag:s17] =	ssyncset.done $0x0  }
0x27: {  	[sflag:s17] =	ssyncadd.s32 $0xFFFFE000  }
0x28: {  	_ =	swait.ge [sflag:s17], $0x2000  }
0x29: {  	[sflag:s17] =	ssyncset.done $0x0  }
0x2a: {  	[sflag:s17] =	ssyncadd.s32 $0xFFFFE000  }
0x2b: {  	[hbm4b:s5+s2] =	stream.linear.scatter [tilespmem:s9], [sflag:$0x2], $0xA000, $0x38;
	[tilespmem:$0xA280] =	vst v63  }
0x2c: {  	s20 =	simm.s32 $0x50;
	_ =	swait.ge [sflag:s7], $0xA000  }
0x2d: {  	s21 =	simm.s32 $0xA0;
	s19 =	sadd.s32 $0x1400, s5;
	[sflag:s7] =	ssyncset.done $0x0  }
.LBB2_2:
0x2e: {  	s22 =	sadd.s32 s20, s6  }
0x2f: {  	[sflag:s7] =	ssyncadd.s32 $0xFFFF6000;
	s20 =	smov.u32 s21;
	s23 =	sadd.s32 $0x50, s21  }
0x30: {  	[tilespmem:s2], [sflag:$0x2] =	stream.linear.gather [hbm4b:s22+s2], $0x280, $0x38;
	[tilespmem:$0xA280] =	vst v63  }
0x31: {  	p0 =	sne.s32 s21, $0x2D0;
	_ =	swait.ge [sflag:s7], $0x280  }
0x32: {  	[sflag:s7] =	ssyncset.done $0x0  }
0x33: {  	[sflag:s7] =	ssyncadd.s32 $0xFFFFFD80  }
0x34: {  	[tilespmem:s9], [sflag:$0x1] =	stream.indirect.gather [hbm4b:s3+s8], $0x40, s2, s8, $0xb8;
	[tilespmem:$0xA280] =	vst v63  }
0x35: {  	_ = 	snop  }
0x36: {  	[tilespmem:s10], [sflag:$0x1] =	stream.indirect.gather [hbm4b:s3+s8], $0x40, s8, s8, $0xb8;
	[tilespmem:$0xA280] =	vst v63  }
0x37: {  	_ = 	snop  }
0x38: {  	[tilespmem:s12], [sflag:$0x1] =	stream.indirect.gather [hbm4b:s3+s8], $0x40, s11, s8, $0xb8;
	[tilespmem:$0xA280] =	vst v63  }
0x39: {  	_ = 	snop  }
0x3a: {  	[tilespmem:s14], [sflag:$0x1] =	stream.indirect.gather [hbm4b:s3+s8], $0x40, s13, s8, $0xb8;
	[tilespmem:$0xA280] =	vst v63  }
0x3b: {  	_ = 	snop  }
0x3c: {  	[tilespmem:s16], [sflag:$0x1] =	stream.indirect.gather [hbm4b:s3+s8], $0x40, s15, s8, $0xb8;
	[tilespmem:$0xA280] =	vst v63  }
0x3d: {  	_ =	swait.ge [sflag:s17], $0x2000  }
0x3e: {  	[sflag:s17] =	ssyncset.done $0x0  }
0x3f: {  	[sflag:s17] =	ssyncadd.s32 $0xFFFFE000  }
0x40: {  	_ =	swait.ge [sflag:s17], $0x2000  }
0x41: {  	[sflag:s17] =	ssyncset.done $0x0  }
0x42: {  	[sflag:s17] =	ssyncadd.s32 $0xFFFFE000  }
0x43: {  	_ =	swait.ge [sflag:s17], $0x2000  }
0x44: {  	[sflag:s17] =	ssyncset.done $0x0  }
0x45: {  	[sflag:s17] =	ssyncadd.s32 $0xFFFFE000  }
0x46: {  	_ =	swait.ge [sflag:s17], $0x2000  }
0x47: {  	[sflag:s17] =	ssyncset.done $0x0  }
0x48: {  	[sflag:s17] =	ssyncadd.s32 $0xFFFFE000  }
0x49: {  	_ =	swait.ge [sflag:s17], $0x2000  }
.Ltmp0:
0x4a: {  	[sflag:s17] =	ssyncset.done $0x0;
	(pc) =	sbr.rel @p0 .LBB2_2-.Ltmp0, $4  }
0x4b: {  	[sflag:s17] =	ssyncadd.s32 $0xFFFFE000  }
0x4c: {  	[hbm4b:s19+s2] =	stream.linear.scatter [tilespmem:s9], [sflag:$0x2], $0xA000, $0x38;
	[tilespmem:$0xA280] =	vst v63  }
0x4d: {  	_ =	swait.ge [sflag:s7], $0xA000  }
0x4e: {  	s21 =	smov.u32 s23;
	s19 =	sadd.s32 $0x1400, s19;
	[sflag:s7] =	ssyncset.done $0x0  }
0x4f: {  	s20 =	sadd.s32 s20, s6;
	[sflag:s7] =	ssyncadd.s32 $0xFFFF6000  }
0x50: {  	[tilespmem:s2], [sflag:$0x2] =	stream.linear.gather [hbm4b:s20+s2], $0x280, $0x38;
	[tilespmem:$0xA280] =	vst v63  }
0x51: {  	_ =	swait.ge [sflag:s7], $0x280  }
0x52: {  	[sflag:s7] =	ssyncset.done $0x0  }
0x53: {  	[sflag:s7] =	ssyncadd.s32 $0xFFFFFD80  }
0x54: {  	[tilespmem:s9], [sflag:$0x1] =	stream.indirect.gather [hbm4b:s3+s8], $0x40, s2, s8, $0xb8;
	[tilespmem:$0xA280] =	vst v63  }
0x55: {  	_ = 	snop  }
0x56: {  	[tilespmem:s10], [sflag:$0x1] =	stream.indirect.gather [hbm4b:s3+s8], $0x40, s8, s8, $0xb8;
	[tilespmem:$0xA280] =	vst v63  }
0x57: {  	_ = 	snop  }
0x58: {  	[tilespmem:s12], [sflag:$0x1] =	stream.indirect.gather [hbm4b:s3+s8], $0x40, s11, s8, $0xb8;
	[tilespmem:$0xA280] =	vst v63  }
0x59: {  	_ = 	snop  }
0x5a: {  	[tilespmem:s14], [sflag:$0x1] =	stream.indirect.gather [hbm4b:s3+s8], $0x40, s13, s8, $0xb8;
	[tilespmem:$0xA280] =	vst v63  }
0x5b: {  	_ = 	snop  }
0x5c: {  	[tilespmem:s16], [sflag:$0x1] =	stream.indirect.gather [hbm4b:s3+s8], $0x40, s15, s8, $0xb8;
	[tilespmem:$0xA280] =	vst v63  }
0x5d: {  	_ =	swait.ge [sflag:s17], $0x2000  }
0x5e: {  	[sflag:s17] =	ssyncset.done $0x0  }
0x5f: {  	[sflag:s17] =	ssyncadd.s32 $0xFFFFE000  }
0x60: {  	_ =	swait.ge [sflag:s17], $0x2000  }
0x61: {  	[sflag:s17] =	ssyncset.done $0x0  }
0x62: {  	[sflag:s17] =	ssyncadd.s32 $0xFFFFE000  }
0x63: {  	_ =	swait.ge [sflag:s17], $0x2000  }
0x64: {  	[sflag:s17] =	ssyncset.done $0x0  }
0x65: {  	[sflag:s17] =	ssyncadd.s32 $0xFFFFE000  }
0x66: {  	_ =	swait.ge [sflag:s17], $0x2000  }
0x67: {  	[sflag:s17] =	ssyncset.done $0x0  }
0x68: {  	[sflag:s17] =	ssyncadd.s32 $0xFFFFE000  }
0x69: {  	s18 =	sadd.s32 $0x1, s18;
	_ =	swait.ge [sflag:s17], $0x2000  }
0x6a: {  	p0 =	sne.s32 s18, s4;
	[sflag:s17] =	ssyncset.done $0x0  }
.Ltmp1:
0x6b: {  	[sflag:s17] =	ssyncadd.s32 $0xFFFFE000;
	(pc) =	sbr.rel @p0 .LBB2_1-.Ltmp1, $4  }
0x6c: {  	[hbm4b:s19+s2] =	stream.linear.scatter [tilespmem:s9], [sflag:$0x2], $0xA000, $0x38;
	[tilespmem:$0xA280] =	vst v63  }
0x6d: {  	_ =	swait.ge [sflag:s7], $0xA000  }
0x6e: {  	[sflag:s7] =	ssyncset.done $0x0  }
0x6f: {  	[sflag:s7] =	ssyncadd.s32 $0xFFFF6000  }
0x70: {  	_ =	sfence.sel $0x180000  }
0x71: {  	[bflag:$0x0] =	sbarrier.arrive $0xFFFF  }
0x72: {  	p0 =	sne.s32 s0, $0x0;
	_ =	strace $0x90000047  }
0x73: {  	s0 =	sadd.s32 @!p0 $0x100000, s1;
	[bflag:$0x2] =	sbarrier.arrive $0xFFFF  }
0x74: {  	[sflag:s0] =	ssyncadd.tile.s32 @!p0 $0x1;
	_ =	shalt  }
.Lfunc_end2:
_tile_overlayer_lowered:
.L_overlay_start_2:
0x75: {  	(tag) =	ssettag $0x2  }
0x76: {  	s0 =	rddreg [dreg:$0x0];
	s2 =	stileid.u32  }
0x77: {  	s1 =	rddreg [dreg:$0x1];
	p0 =	sne.s32 s2, $0x0  }
0x78: {  	s3 =	rddreg [dreg:$0x2];
	[bflag:$0x3] =	sbarrier.arrive $0xFFFF;
	s2 =	simm.s32 @!p0 $0x1C02  }
0x79: {  	[timem:s3], [sflag:s2] =	dma.local @!p0 [hbm:s0], s1  }
0x7a: {  	s0 =	simm.s32 @!p0 $0x2  }
0x7b: {  	_ =	swait.ge @!p0 [sflag:s0], s1  }
0x7c: {  	s1 =	ssub.s32 @!p0 $0x0, s1;
	[sflag:s0] =	ssyncset.done @!p0 $0x0  }
0x7d: {  	[sflag:s0] =	ssyncadd.s32 @!p0 s1  }
0x7e: {  	[bflag:$0x3] =	sbarrier.arrive $0xFFFF  }
0x7f: {  	_ =	shalt  }

// kernel: sparse-core-data-format-call.cloned.1.call-start
scs
called_computation_lowered:
.L_overlay_start_0:
0x0: {  	s2 =	sld [smem:$0x3FD9]  }
0x1: {  	s3 =	sld [smem:$0x3FFE];
	_ =	sdelay $0x1  }
0x2: {  	s1 =	srdreg.scid  }
0x3: {  	s0 =	sand.u32 $0x1, s1  }
0x4: {  	s18 =	sshll.u32 s0, $0xA;
	s2 =	sadd.s32 s3, s2  }
0x5: {  	s2 =	sadd.s32 s2, s18  }
0x6: {  	[smem:$0x3FC6] =	sst s2  }
0x7: {  	_ = 	snop  }
0x8: {  	s2 =	sld [smem:$0x3FD0];
	(tm) =	ssettm $0x1  }
0x9: {  	s19 =	sld [smem:$0x3FFB];
	_ =	sdelay $0x3  }
0xa: {  	_ =	strace s19  }
0xb: {  	s3 =	sld [smem:$0x3FFC];
	_ =	sdelay $0x3  }
0xc: {  	_ =	strace s3  }
0xd: {  	s3 =	sld [smem:$0x3FFD];
	_ =	sdelay $0x3  }
0xe: {  	_ =	strace s3  }
0xf: {  	_ =	strace $0x8FFFFFFF  }
0x10: {  	s20 =	sld [smem:$0x3FDB];
	_ =	sdelay $0x1  }
0x11: {  	s4 =	simm.s32 $_scs_section_size  }
0x12: {  	s5 =	simm.s32 $_size__tile_overlayer_lowered;
	s6 =	simm.s32 $_tile_overlayer_lowered  }
0x13: {  	s23 =	simm.s32 $0x1BFF;
	s22 =	sshll.u32 s6, $0x1;
	s3 =	sadd.s32 s4, s20  }
0x14: {  	s7 =	simm.s32 $0x0;
	s21 =	sshll.u32 s5, $0x1;
	s5 =	sadd.s32 s22, s3  }
0x15: {  	[timem:s7], [sflag:s23] =	dma.local [hbm:s5], s21  }
0x16: {  	_ =	swait.ge [sflag:s23], s21  }
0x17: {  	s4 =	ssub.s32 $0x0, s21;
	[sflag:s23] =	ssyncset.done $0x0  }
0x18: {  	[sflag:s23] =	ssyncadd.s32 s4;
	_ =	sdelay $0x1  }
0x19: {  	s24 =	simm.s32 $0x1B8B  }
0x1a: {  	_ =	swait.ge [sflag:s24], $0x1  }
0x1b: {  	[sflag:s24] =	ssyncset.done $0x0  }
0x1c: {  	s26 =	simm.s32 $0x1B8E;
	s25 =	sld [smem:$0x3FFE];
	[sflag:s24] =	ssyncadd.s32 $0xFFFFFFFF  }
0x1d: {  	s27 =	simm.s32 $execute0_lowered;
	[smem:$0x3FD2] =	sst s26  }
0x1e: {  	s5 =	sshll.u32 s27, $0x1;
	_ =	strace $0x80000049;
	[dreg:$0x1] =	wrdreg $0xFFFFFFFF  }
0x1f: {  	s28 =	simm.s32 $_size_execute0_lowered;
	s3 =	sadd.s32 s3, s5;
	[dreg:$0x0] =	wrdreg $0x0  }
0x20: {  	s5 =	sshll.u32 s28, $0x1;
	[dreg:$0x2] =	wrdreg s3  }
0x21: {  	[dreg:$0x3] =	wrdreg s5  }
0x22: {  	[dreg:$0x4] =	wrdreg $0xC0  }
0x23: {  	_ =	task [dreg:s7], $0x5FFFF  }
0x24: {  	[dreg:$0x1] =	wrdreg $0xFFFFFFFF  }
0x25: {  	[dreg:$0x0] =	wrdreg $0x60  }
0x26: {  	[dreg:$0x2] =	wrdreg s25  }
0x27: {  	[dreg:$0x3] =	wrdreg s2  }
0x28: {  	[dreg:$0x4] =	wrdreg $0x9  }
0x29: {  	_ =	task.clear_ibuf [dreg:s7], $0x5FFFF;
	_ =	strace $0x90000049  }
0x2a: {  	s29 =	simm.s32 $0x9;
	_ =	strace $0x8000004B  }
0x2b: {  	_ =	swait.ge [sflag:s29], $0x1  }
0x2c: {  	[sflag:s29] =	ssyncadd.s32 $0xFFFFFFFF  }
0x2d: {  	_ =	strace $0x9000004B  }
0x2e: {  	_ =	sfence  }
0x2f: {  	s30 =	sld [smem:$0x0];
	_ =	sdelay $0x2  }
0x30: {  	s31 =	sshll.u32 s1, $0xD;
	s1 =	sshrl.u32 s1, $0x2  }
0x31: {  	s3 =	sand.u32 $0x4000, s31;
	s1 =	sadd.s32 s1, s30  }
0x32: {  	s0 =	sor.u32 s3, s0;
	s1 =	sshll.u32 s1, $0x11  }
0x33: {  	s0 =	sor.u32 s1, s0  }
0x34: {  	s0 =	sadd.s32 $0x8F2B, s0  }
0x35: {  	[sflag:s0] =	ssyncadd.remote.s32 $0x1  }
0x36: {  	_ =	sfence.sel $0xFFFF  }
0x37: {  	[dreg:$0x0] =	wrdreg $0xFFFFFFFF;
	(pc) =	sbr.abs _section_cstart, $3  }
0x38: {  	[dreg:$0x1] =	wrdreg $0xFFFFFFFF  }
0x39: {  	_ =	task.clear_ibuf [dreg:s7], $0x2FFFF;
	_ =	strace $0x9FFFFFFF  }
0x3a: {  	(tm) =	ssettm $0x7FFFFFFF  }
0x3b: {  	_ =	shalt  }
tec
execute0_lowered:
.L_overlay_start_1:
0x0: {  	(tag) =	ssettag $0x1  }
0x1: {  	s0 =	srdreg.scid  }
0x2: {  	s1 =	sshll.u32 s0, $0x4  }
0x3: {  	s0 =	stileid.u32;
	s1 =	sand.u32 $0x10, s1  }
0x4: {  	s1 =	sor.u32 s0, s1  }
0x5: {  	s6 =	rddreg [dreg:$0x0];
	s4 =	simm.s32 $0x1;
	s2 =	sshll.u32 s1, $0x7  }
0x6: {  	s7 =	simm.s32 $0x2;
	s12 =	simm.s32 $0x0;
	s1 =	ssub.s32 $0x1000, s2  }
0x7: {  	s8 =	simm.s32 $0x8000;
	s13 =	simm.s32 $0x0;
	s3 =	sand.u32 $0xF80, s1  }
0x8: {  	s9 =	simm.s32 $0x0;
	s5 =	sshrl.u32 s1, $0xC;
	p0 =	sne.s32 s3, $0x0  }
.Ltmp0:
0x9: {  	s1 =	rddreg [dreg:$0x2];
	s4 =	simm.s32 @!p0 $0x0;
	(pc) =	sbr.rel .LBB1_1-.Ltmp0, $4  }
0xa: {  	s11 =	simm.s32 $0x0;
	s3 =	rddreg [dreg:$0x1];
	s5 =	sadd.s32 s4, s5  }
0xb: {  	_ =	strace $0x8000004A;
	s4 =	simm.s32 $0x1;
	s5 =	smul.u32 $0x32, s5  }
0xc: {  	s6 =	sadd.s32 $0x190A00, s6;
	s10 =	smov.u32 s2;
	[sflag:s4] =	ssyncpa.u1 $0x0  }
0xd: {  	p0 =	por $0x0, $0x0;
	[sflag:s7] =	ssyncpa.u1 $0x0;
	s7 =	sor.u32 $0x1, s5  }
.LBB1_4:
0xe: {  	s16 =	sshll.u32 s13, $0x3;
	s17 =	sand.u32 $0x78, s13  }
0xf: {  	s30 =	sand.u32 $0x7E00, s13;
	s12 =	sshll.u32 s12, $0xF;
	s16 =	sand.u32 $0xC00, s16  }
0x10: {  	[tilespmem:s15+$0x810 ss:$0x81] =	vst.msk $0xffff, v2;
	s31 =	sand.u32 $0x7, s13;
	s16 =	sor.u32 s17, s16;
	s17 =	sadd.s32 s3, s30  }
0x11: {  	[tilespmem:s15+$0x1020 ss:$0x81] =	vst.msk $0xffff, v0;
	s13 =	sshll.u32 s31, $0x12;
	s12 =	sadd.s32 s12, s17;
	s16 =	sshrl.u32 s16, $0x3  }
0x12: {  	[tilespmem:s15+$0x0 ss:$0x81] =	vst.msk $0xffff, v1;
	s13 =	sor.u32 $0x400, s13;
	s12 =	sadd.s32 s16, s12  }
0x13: {  	[hbm4b:s12+s13] =	stream.strided.scatter [tilespmem:s14], [sflag:$0x2], $0x2000, s8, s13, $0x20;
	[tilespmem:$0x8080] =	vst v63  }
.LBB1_5:
0x14: {  	s14 =	sadd.s32 $0x1, s9  }
0x15: {  	s12 =	sadd.s32 $0x1000, s10;
	s16 =	smov.u32 s10;
	p2 =	sgt.s32 s14, $0x31  }
0x16: {  	s16 =	smov.u32 @p2 s12  }
0x17: {  	s14 =	simm.s32 @p2 $0x0;
	p2 =	sgt.s32 s16, $0xFFF  }
0x18: {  	s16 =	smov.u32 @p2 s2;
	p2 =	sne.s32 s11, s7  }
.Ltmp1:
0x19: {  	p1 =	slt.u32 s11, $0x2;
	(pc) =	sbr.rel @!p2 .LBB1_6-.Ltmp1, $4  }
0x1a: {  	s15 =	simm.s32 @!p1 $0x2  }
0x1b: {  	s13 =	smov.u32 s10;
	p0 =	por !p0, !p0;
	_ =	swait.ge @!p1 [sflag:s15], $0x2000  }
0x1c: {  	s12 =	smov.u32 s9;
	[sflag:s15] =	ssyncset.done @!p1 $0x0;
	s9 =	smov.u32 s14  }
0x1d: {  	s11 =	sadd.s32 $0x1, s11;
	[sflag:s15] =	ssyncadd.s32 @!p1 $0xFFFFE000;
	s10 =	smov.u32 s16  }
.LBB1_1:
0x1e: {  	p1 =	sge.u32 s11, s5  }
0x1f: {  	s14 =	sand.u32 @!p1 $0x1FFFFFF, s9  }
0x20: {  	s15 =	smulhi.u32 @!p1 $0x4924925, s14;
	_ =	sdelay $0x1  }
0x21: {  	s15 =	smul.u32 @!p1 $0x38, s15  }
0x22: {  	s16 =	sxor.u32 @!p1 $0xFFFFFFFF, s11;
	s17 =	smul.u32 @!p1 $0x380, s10  }
0x23: {  	s31 =	sadd.s32 $0xFFFFFFFF, s11;
	s16 =	sshll.u32 @!p1 s16, $0xD;
	s14 =	ssub.s32 @!p1 s14, s15  }
0x24: {  	s15 =	sand.u32 @!p1 $0x2000, s16;
	s16 =	sadd.s32 @!p1 s6, s17;
	s14 =	sshll.u32 @!p1 s14, $0x4  }
0x25: {  	s17 =	simm.s32 @!p1 $0x1C00;
	s14 =	sadd.s32 @!p1 s14, s16;
	s16 =	simm.s32 @!p1 $0x40  }
0x26: {  	[tilespmem:s15], [sflag:$0x1] =	stream.strided.gather @!p1 [hbm4b:s14+s16], $0x2000, s17, s16, $0x38;
	[tilespmem:$0x8080] =	vst v63  }
0x27: {  	p1 =	sge.u32 s31, s5  }
.Ltmp2:
0x28: {  	_ = 	snop;
	(pc) =	sbr.rel @p1 .LBB1_5-.Ltmp2, $1  }
0x29: {  	_ =	sdelay $0x3  }
0x2a: {  	s14 =	simm.s32 $0x1  }
0x2b: {  	_ =	swait.ge [sflag:s4], $0x2000;
	s14 =	simm.s32 @!p0 $0x0  }
0x2c: {  	[sflag:s4] =	ssyncset.done $0x0;
	s15 =	sshll.u32 s14, $0xD  }
0x2d: {  	[sflag:s4] =	ssyncadd.s32 $0xFFFFE000;
	s18 =	sor.u32 $0x20, s15  }
0x2e: {  	s14 =	smul.u32 $0x8100, s14;
	v3 =	vld [tilespmem:s18+$0x10]  }
0x2f: {  	s30 =	sand.u32 $0x1, s11;
	v2 =	vld [tilespmem:s18+$0xFFFFFFF0]  }
0x30: {  	s15 =	smul.u32 $0x8100, s30;
	s14 =	sshrl.u32 s14, $0x2;
	v0 =	vld [tilespmem:s18+$0x0]  }
0x31: {  	v1 =	vld [tilespmem:s18+$0xFFFFFFE0];
	s16 =	sor.u32 $0x4000, s14  }
0x32: {  	s31 =	sshrl.u32 s15, $0x2;
	s15 =	sadd.s32 $0x0, s16  }
0x33: {  	s17 =	simm.s32 $0x4;
	s18 =	sadd.s32 $0x40, s18;
	s14 =	sor.u32 $0x4000, s31;
	[tilespmem:s15+$0x1830 ss:$0x81] =	vst.msk $0xffff, v3  }
.LBB1_3:
0x34: {  	v3 =	vld [tilespmem:s18+$0x10];
	p1 =	sne.s32 s17, $0x1FC;
	[tilespmem:s15+$0x810 ss:$0x81] =	vst.msk $0xffff, v2;
	s19 =	smov.u32 s17;
	s17 =	sadd.s32 $0x4, s17  }
.Ltmp3:
0x35: {  	v2 =	vld [tilespmem:s18+$0xFFFFFFF0];
	[tilespmem:s15+$0x1020 ss:$0x81] =	vst.msk $0xffff, v0;
	(pc) =	sbr.rel @p1 .LBB1_3-.Ltmp3, $4  }
0x36: {  	v0 =	vld [tilespmem:s18+$0x0];
	[tilespmem:s15+$0x0 ss:$0x81] =	vst.msk $0xffff, v1  }
0x37: {  	s15 =	sshra.s32 s19, $0x2;
	v1 =	vld [tilespmem:s18+$0xFFFFFFE0]  }
0x38: {  	s15 =	sadd.s32 s15, s16  }
0x39: {  	s18 =	sadd.s32 $0x40, s18;
	[tilespmem:s15+$0x1830 ss:$0x81] =	vst.msk $0xffff, v3  }
.Ltmp4:
0x3a: {  	_ = 	snop;
	(pc) =	sbr.rel .LBB1_4-.Ltmp4, $1  }
0x3b: {  	_ =	sdelay $0x3  }
.LBB1_6:
0x3c: {  	_ =	sfence.sel $0x180000  }
0x3d: {  	s2 =	simm.s32 $0x1;
	[bflag:$0x0] =	sbarrier.arrive $0xFFFF  }
0x3e: {  	s31 =	simm.s32 $0x2;
	[sflag:s2] =	ssyncpa.u1 $0x1  }
0x3f: {  	[sflag:s31] =	ssyncpa.u1 $0x1  }
0x40: {  	p0 =	sne.s32 s0, $0x0;
	_ =	strace $0x9000004A  }
0x41: {  	s0 =	sadd.s32 @!p0 $0x100000, s1;
	[bflag:$0x2] =	sbarrier.arrive $0xFFFF  }
0x42: {  	[sflag:s0] =	ssyncadd.tile.s32 @!p0 $0x1;
	_ =	shalt  }
.Lfunc_end1:
_tile_overlayer_lowered:
.L_overlay_start_2:
0x43: {  	(tag) =	ssettag $0x2  }
0x44: {  	s0 =	rddreg [dreg:$0x0];
	s2 =	stileid.u32  }
0x45: {  	s1 =	rddreg [dreg:$0x1];
	p0 =	sne.s32 s2, $0x0  }
0x46: {  	s3 =	rddreg [dreg:$0x2];
	[bflag:$0x3] =	sbarrier.arrive $0xFFFF;
	s2 =	simm.s32 @!p0 $0x1C01  }
0x47: {  	[timem:s3], [sflag:s2] =	dma.local @!p0 [hbm:s0], s1  }
0x48: {  	s0 =	simm.s32 @!p0 $0x1  }
0x49: {  	_ =	swait.ge @!p0 [sflag:s0], s1  }
0x4a: {  	s1 =	ssub.s32 @!p0 $0x0, s1;
	[sflag:s0] =	ssyncset.done @!p0 $0x0  }
0x4b: {  	[sflag:s0] =	ssyncadd.s32 @!p0 s1  }
0x4c: {  	[bflag:$0x3] =	sbarrier.arrive $0xFFFF  }
0x4d: {  	_ =	shalt  }

</sc_bundles>
